<compile_context>
chip_gen: v7x
topology: tpu7x:2x2x1
jax: 0.10.2.dev20260603
libtpu: 0.0.44.dev20260713+nightly
codegen_flags: <defaults>
</compile_context>

<pallas_src>
import functools

import jax
import jax.numpy as jnp
from jax import lax
from jax.experimental import pallas as pl
from jax.experimental.pallas import tpu as pltpu
from jax.experimental.pallas import tpu_sc as plsc

NC = 2
NS = 16
NW = NC * NS
LANES = 16
ILIM = 128


@functools.lru_cache(maxsize=None)
def _build(B, T, D):
    tpw = T // NW
    bpg = ILIM // tpw
    ng = B // bpg
    mesh = plsc.VectorSubcoreMesh(core_axis_name="c", subcore_axis_name="s")

    @functools.partial(
        pl.kernel,
        out_type=jax.ShapeDtypeStruct((B * T, D), jnp.float32),
        mesh=mesh,
        scratch_types=[
            pltpu.VMEM((ng, ILIM), jnp.int32),
            pltpu.VMEM((B * tpw, D), jnp.float32),
            pltpu.VMEM((tpw, D), jnp.float32),
            pltpu.SemaphoreType.DMA((ng,)),
            pltpu.SemaphoreType.DMA((B,)),
            pltpu.SemaphoreType.DMA((B,)),
            pltpu.SemaphoreType.DMA,
        ],
    )
    def sc_kernel(idx_hbm, tok_hbm, pos_hbm, out_hbm, idx_v, rows_v, pos_v,
                  gsem, osem, isem, psem):
        c = lax.axis_index("c")
        s = lax.axis_index("s")
        wid = s * NC + c
        tbase = wid * tpw

        pos_cp = pltpu.async_copy(pos_hbm.at[pl.ds(tbase, tpw)], pos_v, psem)
        idx_cps = [
            pltpu.async_copy(
                idx_hbm.at[b, pl.ds(tbase, tpw)],
                idx_v.at[b // bpg, pl.ds((b % bpg) * tpw, tpw)],
                isem.at[b],
            )
            for b in range(B)
        ]

        gathers = []
        for g in range(ng):
            for b in range(g * bpg, (g + 1) * bpg):
                idx_cps[b].wait()
            gathers.append(
                pltpu.async_copy(
                    tok_hbm.at[idx_v.at[g]],
                    rows_v.at[pl.ds(g * ILIM, ILIM)],
                    gsem.at[g],
                )
            )
        pos_cp.wait()

        stores = []
        for g in range(ng):
            gathers[g].wait()

            def add_row(r, carry, g=g):
                prow = [pos_v[r, pl.ds(ch * LANES, LANES)]
                        for ch in range(D // LANES)]
                for j in range(bpg):
                    row = g * ILIM + j * tpw
                    for ch in range(D // LANES):
                        plsc.addupdate(
                            rows_v.at[row + r, pl.ds(ch * LANES, LANES)],
                            prow[ch],
                        )
                return carry

            lax.fori_loop(0, tpw, add_row, 0)
            for j in range(bpg):
                b = g * bpg + j
                stores.append(
                    pltpu.async_copy(
                        rows_v.at[pl.ds(b * tpw, tpw)],
                        out_hbm.at[pl.ds(b * T + tbase, tpw)],
                        osem.at[b],
                    )
                )
        for st in stores:
            st.wait()

    return sc_kernel


def kernel(idx, token_table, pos_table):
    B, T = idx.shape
    V, D = token_table.shape
    tpw = T // NW
    assert T % NW == 0 and tpw % 8 == 0 and ILIM % tpw == 0
    assert B % (ILIM // tpw) == 0 and D % LANES == 0

    out = _build(B, T, D)(idx.astype(jnp.int32), token_table, pos_table)
    return out.reshape(B, T, D)

# --- scband reference (transcript-rebuilt; emitter-appended) ---
"""Pipeline reference for scband-token-position-embeddings-82420422410777 (READ-ONLY COPY).

The authoritative reference and input builder live on the scoring server;
editing this copy changes nothing except your own understanding.
"""

import jax, jax.numpy as jnp
import numpy as np

VOCAB = 100000
BLOCK = 2048
N_EMBD = 128
B, T = 4, 2048

def setup_inputs(seed: int = 0) -> dict:
    key = jax.random.key(seed)
    k1, k2, k3 = jax.random.split(key, 3)
    idx = jax.random.randint(k1, (B, T), 0, VOCAB, dtype=jnp.int64) if jax.config.jax_enable_x64 else jax.random.randint(k1, (B, T), 0, VOCAB, dtype=jnp.int32)
    token_table = jax.random.normal(k2, (VOCAB, N_EMBD), dtype=jnp.float32) * 0.02
    pos_table = jax.random.normal(k3, (BLOCK, N_EMBD), dtype=jnp.float32) * 0.02
    return {"idx": idx, "token_table": token_table, "pos_table": pos_table}

def reference(idx, token_table, pos_table):
    Bc, Tc = idx.shape
    pos = jnp.arange(Tc)[None, :]               # [1, T]
    tok = jnp.take(token_table, idx, axis=0)    # [B, T, n_embd]
    pe = jnp.take(pos_table, pos, axis=0)       # [1, T, n_embd]
    x = tok + pe                                # broadcast over batch
    # dropout p=0.0 -> identity
    return x

if __name__ == "__main__":
    import jax
    _d = setup_inputs()
    print(jax.jit(kernel)(*tuple(_d.values())))

</pallas_src>

<mosaic_0001>
#map = affine_map<(d0, d1) -> (0, 0)>
module attributes {stable_mosaic.version = 14 : i64} {
  func.func @sc_kernel(%arg0: i32, %arg1: i32, %arg2: memref<4x2048xi32, #tpu.memory_space<hbm>>, %arg3: memref<100000x128xf32, #tpu.memory_space<hbm>>, %arg4: memref<2048x128xf32, #tpu.memory_space<hbm>>, %arg5: memref<8192x128xf32, #tpu.memory_space<hbm>>, %arg6: memref<2x128xi32, #tpu.memory_space<vmem>>, %arg7: memref<256x128xf32, #tpu.memory_space<vmem>>, %arg8: memref<64x128xf32, #tpu.memory_space<vmem>>, %arg9: memref<2x!tpu.dma_semaphore, #tpu.memory_space<semaphore_mem>>, %arg10: memref<4x!tpu.dma_semaphore, #tpu.memory_space<semaphore_mem>>, %arg11: memref<4x!tpu.dma_semaphore, #tpu.memory_space<semaphore_mem>>, %arg12: memref<!tpu.dma_semaphore, #tpu.memory_space<semaphore_mem>>) attributes {dimension_semantics = [#tpu.dimension_semantics<core_parallel>, #tpu.dimension_semantics<subcore_parallel>], iteration_bounds = array<i64: 2, 16>, scalar_prefetch = 0 : i64, scratch_operands = 7 : i64, tpu.core_type = #tpu.core_type<sc_vector_subcore>, window_params = [{transform_indices = #map}, {transform_indices = #map}, {transform_indices = #map}, {transform_indices = #map}]} {
    %mul3A = arith.constant 2 : i32
    %mul3A_0 = arith.muli %arg1, %mul3A : i32
    %add3A = arith.addi %mul3A_0, %arg0 : i32
    %mul3A_1 = arith.constant 64 : i32
    %mul3A_2 = arith.muli %add3A, %mul3A_1 : i32
    %dma_start3A = arith.constant 0 : i32
    %dma_start3A_3 = tpu.memref_slice %arg4[%mul3A_2, %dma_start3A] : memref<2048x128xf32, #tpu.memory_space<hbm>> -> memref<64x128xf32, #tpu.memory_space<hbm>>
    %dma_start3A_4 = arith.constant 0 : i32
    %dma_start3A_5 = tpu.memref_slice %arg4[%mul3A_2, %dma_start3A_4] : memref<2048x128xf32, #tpu.memory_space<hbm>> -> memref<64x128xf32, #tpu.memory_space<hbm>>
    tpu.enqueue_dma source(%dma_start3A_5 : memref<64x128xf32, #tpu.memory_space<hbm>>) target(%arg8 : memref<64x128xf32, #tpu.memory_space<vmem>>) target_semaphore(%arg12 : memref<!tpu.dma_semaphore, #tpu.memory_space<semaphore_mem>>)
    %dma_start3A_6 = arith.constant 0 : i32
    %dma_start3A_7 = arith.constant 0 : i32
    %dma_start3A_8 = arith.constant 0 : i32
    %dma_start3A_9 = arith.constant 0 : i32
    %dma_start3A_10 = tpu.memref_slice %arg6[%dma_start3A_7, %dma_start3A_9] : memref<2x128xi32, #tpu.memory_space<vmem>> -> memref<1x64xi32, #tpu.memory_space<vmem>>
    %dma_start3A_11 = tpu.memref_squeeze %dma_start3A_10 : memref<1x64xi32, #tpu.memory_space<vmem>> -> memref<64xi32, #tpu.memory_space<vmem>>
    %dma_start3A_12 = tpu.memref_slice %arg2[%dma_start3A_6, %mul3A_2] : memref<4x2048xi32, #tpu.memory_space<hbm>> -> memref<1x64xi32, #tpu.memory_space<hbm>>
    %dma_start3A_13 = tpu.memref_squeeze %dma_start3A_12 : memref<1x64xi32, #tpu.memory_space<hbm>> -> memref<64xi32, #tpu.memory_space<hbm>>
    %dma_start3A_14 = tpu.memref_slice %arg11[%dma_start3A_8] : memref<4x!tpu.dma_semaphore, #tpu.memory_space<semaphore_mem>> -> memref<1x!tpu.dma_semaphore, #tpu.memory_space<semaphore_mem>>
    %dma_start3A_15 = tpu.memref_squeeze %dma_start3A_14 : memref<1x!tpu.dma_semaphore, #tpu.memory_space<semaphore_mem>> -> memref<!tpu.dma_semaphore, #tpu.memory_space<semaphore_mem>>
    %dma_start3A_16 = arith.constant 0 : i32
    %dma_start3A_17 = tpu.memref_slice %arg6[%dma_start3A_7, %dma_start3A_16] : memref<2x128xi32, #tpu.memory_space<vmem>> -> memref<1x64xi32, #tpu.memory_space<vmem>>
    %dma_start3A_18 = tpu.memref_squeeze %dma_start3A_17 : memref<1x64xi32, #tpu.memory_space<vmem>> -> memref<64xi32, #tpu.memory_space<vmem>>
    %dma_start3A_19 = tpu.memref_slice %arg2[%dma_start3A_6, %mul3A_2] : memref<4x2048xi32, #tpu.memory_space<hbm>> -> memref<1x64xi32, #tpu.memory_space<hbm>>
    %dma_start3A_20 = tpu.memref_squeeze %dma_start3A_19 : memref<1x64xi32, #tpu.memory_space<hbm>> -> memref<64xi32, #tpu.memory_space<hbm>>
    tpu.enqueue_dma source(%dma_start3A_20 : memref<64xi32, #tpu.memory_space<hbm>>) target(%dma_start3A_18 : memref<64xi32, #tpu.memory_space<vmem>>) target_semaphore(%dma_start3A_15 : memref<!tpu.dma_semaphore, #tpu.memory_space<semaphore_mem>>)
    %dma_start3A_21 = arith.constant 1 : i32
    %dma_start3A_22 = arith.constant 0 : i32
    %dma_start3A_23 = arith.constant 1 : i32
    %dma_start3A_24 = arith.constant 64 : i32
    %dma_start3A_25 = tpu.memref_slice %arg6[%dma_start3A_22, %dma_start3A_24] : memref<2x128xi32, #tpu.memory_space<vmem>> -> memref<1x64xi32, #tpu.memory_space<vmem>>
    %dma_start3A_26 = tpu.memref_squeeze %dma_start3A_25 : memref<1x64xi32, #tpu.memory_space<vmem>> -> memref<64xi32, #tpu.memory_space<vmem>>
    %dma_start3A_27 = tpu.memref_slice %arg2[%dma_start3A_21, %mul3A_2] : memref<4x2048xi32, #tpu.memory_space<hbm>> -> memref<1x64xi32, #tpu.memory_space<hbm>>
    %dma_start3A_28 = tpu.memref_squeeze %dma_start3A_27 : memref<1x64xi32, #tpu.memory_space<hbm>> -> memref<64xi32, #tpu.memory_space<hbm>>
    %dma_start3A_29 = tpu.memref_slice %arg11[%dma_start3A_23] : memref<4x!tpu.dma_semaphore, #tpu.memory_space<semaphore_mem>> -> memref<1x!tpu.dma_semaphore, #tpu.memory_space<semaphore_mem>>
    %dma_start3A_30 = tpu.memref_squeeze %dma_start3A_29 : memref<1x!tpu.dma_semaphore, #tpu.memory_space<semaphore_mem>> -> memref<!tpu.dma_semaphore, #tpu.memory_space<semaphore_mem>>
    %dma_start3A_31 = arith.constant 64 : i32
    %dma_start3A_32 = tpu.memref_slice %arg6[%dma_start3A_22, %dma_start3A_31] : memref<2x128xi32, #tpu.memory_space<vmem>> -> memref<1x64xi32, #tpu.memory_space<vmem>>
    %dma_start3A_33 = tpu.memref_squeeze %dma_start3A_32 : memref<1x64xi32, #tpu.memory_space<vmem>> -> memref<64xi32, #tpu.memory_space<vmem>>
    %dma_start3A_34 = tpu.memref_slice %arg2[%dma_start3A_21, %mul3A_2] : memref<4x2048xi32, #tpu.memory_space<hbm>> -> memref<1x64xi32, #tpu.memory_space<hbm>>
    %dma_start3A_35 = tpu.memref_squeeze %dma_start3A_34 : memref<1x64xi32, #tpu.memory_space<hbm>> -> memref<64xi32, #tpu.memory_space<hbm>>
    tpu.enqueue_dma source(%dma_start3A_35 : memref<64xi32, #tpu.memory_space<hbm>>) target(%dma_start3A_33 : memref<64xi32, #tpu.memory_space<vmem>>) target_semaphore(%dma_start3A_30 : memref<!tpu.dma_semaphore, #tpu.memory_space<semaphore_mem>>)
    %dma_start3A_36 = arith.constant 2 : i32
    %dma_start3A_37 = arith.constant 1 : i32
    %dma_start3A_38 = arith.constant 2 : i32
    %dma_start3A_39 = arith.constant 0 : i32
    %dma_start3A_40 = tpu.memref_slice %arg6[%dma_start3A_37, %dma_start3A_39] : memref<2x128xi32, #tpu.memory_space<vmem>> -> memref<1x64xi32, #tpu.memory_space<vmem>>
    %dma_start3A_41 = tpu.memref_squeeze %dma_start3A_40 : memref<1x64xi32, #tpu.memory_space<vmem>> -> memref<64xi32, #tpu.memory_space<vmem>>
    %dma_start3A_42 = tpu.memref_slice %arg2[%dma_start3A_36, %mul3A_2] : memref<4x2048xi32, #tpu.memory_space<hbm>> -> memref<1x64xi32, #tpu.memory_space<hbm>>
    %dma_start3A_43 = tpu.memref_squeeze %dma_start3A_42 : memref<1x64xi32, #tpu.memory_space<hbm>> -> memref<64xi32, #tpu.memory_space<hbm>>
    %dma_start3A_44 = tpu.memref_slice %arg11[%dma_start3A_38] : memref<4x!tpu.dma_semaphore, #tpu.memory_space<semaphore_mem>> -> memref<1x!tpu.dma_semaphore, #tpu.memory_space<semaphore_mem>>
    %dma_start3A_45 = tpu.memref_squeeze %dma_start3A_44 : memref<1x!tpu.dma_semaphore, #tpu.memory_space<semaphore_mem>> -> memref<!tpu.dma_semaphore, #tpu.memory_space<semaphore_mem>>
    %dma_start3A_46 = arith.constant 0 : i32
    %dma_start3A_47 = tpu.memref_slice %arg6[%dma_start3A_37, %dma_start3A_46] : memref<2x128xi32, #tpu.memory_space<vmem>> -> memref<1x64xi32, #tpu.memory_space<vmem>>
    %dma_start3A_48 = tpu.memref_squeeze %dma_start3A_47 : memref<1x64xi32, #tpu.memory_space<vmem>> -> memref<64xi32, #tpu.memory_space<vmem>>
    %dma_start3A_49 = tpu.memref_slice %arg2[%dma_start3A_36, %mul3A_2] : memref<4x2048xi32, #tpu.memory_space<hbm>> -> memref<1x64xi32, #tpu.memory_space<hbm>>
    %dma_start3A_50 = tpu.memref_squeeze %dma_start3A_49 : memref<1x64xi32, #tpu.memory_space<hbm>> -> memref<64xi32, #tpu.memory_space<hbm>>
    tpu.enqueue_dma source(%dma_start3A_50 : memref<64xi32, #tpu.memory_space<hbm>>) target(%dma_start3A_48 : memref<64xi32, #tpu.memory_space<vmem>>) target_semaphore(%dma_start3A_45 : memref<!tpu.dma_semaphore, #tpu.memory_space<semaphore_mem>>)
    %dma_start3A_51 = arith.constant 3 : i32
    %dma_start3A_52 = arith.constant 1 : i32
    %dma_start3A_53 = arith.constant 3 : i32
    %dma_start3A_54 = arith.constant 64 : i32
    %dma_start3A_55 = tpu.memref_slice %arg6[%dma_start3A_52, %dma_start3A_54] : memref<2x128xi32, #tpu.memory_space<vmem>> -> memref<1x64xi32, #tpu.memory_space<vmem>>
    %dma_start3A_56 = tpu.memref_squeeze %dma_start3A_55 : memref<1x64xi32, #tpu.memory_space<vmem>> -> memref<64xi32, #tpu.memory_space<vmem>>
    %dma_start3A_57 = tpu.memref_slice %arg2[%dma_start3A_51, %mul3A_2] : memref<4x2048xi32, #tpu.memory_space<hbm>> -> memref<1x64xi32, #tpu.memory_space<hbm>>
    %dma_start3A_58 = tpu.memref_squeeze %dma_start3A_57 : memref<1x64xi32, #tpu.memory_space<hbm>> -> memref<64xi32, #tpu.memory_space<hbm>>
    %dma_start3A_59 = tpu.memref_slice %arg11[%dma_start3A_53] : memref<4x!tpu.dma_semaphore, #tpu.memory_space<semaphore_mem>> -> memref<1x!tpu.dma_semaphore, #tpu.memory_space<semaphore_mem>>
    %dma_start3A_60 = tpu.memref_squeeze %dma_start3A_59 : memref<1x!tpu.dma_semaphore, #tpu.memory_space<semaphore_mem>> -> memref<!tpu.dma_semaphore, #tpu.memory_space<semaphore_mem>>
    %dma_start3A_61 = arith.constant 64 : i32
    %dma_start3A_62 = tpu.memref_slice %arg6[%dma_start3A_52, %dma_start3A_61] : memref<2x128xi32, #tpu.memory_space<vmem>> -> memref<1x64xi32, #tpu.memory_space<vmem>>
    %dma_start3A_63 = tpu.memref_squeeze %dma_start3A_62 : memref<1x64xi32, #tpu.memory_space<vmem>> -> memref<64xi32, #tpu.memory_space<vmem>>
    %dma_start3A_64 = tpu.memref_slice %arg2[%dma_start3A_51, %mul3A_2] : memref<4x2048xi32, #tpu.memory_space<hbm>> -> memref<1x64xi32, #tpu.memory_space<hbm>>
    %dma_start3A_65 = tpu.memref_squeeze %dma_start3A_64 : memref<1x64xi32, #tpu.memory_space<hbm>> -> memref<64xi32, #tpu.memory_space<hbm>>
    tpu.enqueue_dma source(%dma_start3A_65 : memref<64xi32, #tpu.memory_space<hbm>>) target(%dma_start3A_63 : memref<64xi32, #tpu.memory_space<vmem>>) target_semaphore(%dma_start3A_60 : memref<!tpu.dma_semaphore, #tpu.memory_space<semaphore_mem>>)
    %dma_wait3A = arith.constant 0 : i32
    %dma_wait3A_66 = arith.constant 0 : i32
    %dma_wait3A_67 = arith.constant 0 : i32
    %dma_wait3A_68 = arith.constant 0 : i32
    %dma_wait3A_69 = tpu.memref_slice %arg6[%dma_wait3A_66, %dma_wait3A_68] : memref<2x128xi32, #tpu.memory_space<vmem>> -> memref<1x64xi32, #tpu.memory_space<vmem>>
    %dma_wait3A_70 = tpu.memref_squeeze %dma_wait3A_69 : memref<1x64xi32, #tpu.memory_space<vmem>> -> memref<64xi32, #tpu.memory_space<vmem>>
    %dma_wait3A_71 = tpu.memref_slice %arg2[%dma_wait3A, %mul3A_2] : memref<4x2048xi32, #tpu.memory_space<hbm>> -> memref<1x64xi32, #tpu.memory_space<hbm>>
    %dma_wait3A_72 = tpu.memref_squeeze %dma_wait3A_71 : memref<1x64xi32, #tpu.memory_space<hbm>> -> memref<64xi32, #tpu.memory_space<hbm>>
    %dma_wait3A_73 = tpu.memref_slice %arg11[%dma_wait3A_67] : memref<4x!tpu.dma_semaphore, #tpu.memory_space<semaphore_mem>> -> memref<1x!tpu.dma_semaphore, #tpu.memory_space<semaphore_mem>>
    %dma_wait3A_74 = tpu.memref_squeeze %dma_wait3A_73 : memref<1x!tpu.dma_semaphore, #tpu.memory_space<semaphore_mem>> -> memref<!tpu.dma_semaphore, #tpu.memory_space<semaphore_mem>>
    %dma_wait3A_75 = arith.constant 0 : i32
    %dma_wait3A_76 = tpu.memref_slice %arg6[%dma_wait3A_66, %dma_wait3A_75] : memref<2x128xi32, #tpu.memory_space<vmem>> -> memref<1x64xi32, #tpu.memory_space<vmem>>
    %dma_wait3A_77 = tpu.memref_squeeze %dma_wait3A_76 : memref<1x64xi32, #tpu.memory_space<vmem>> -> memref<64xi32, #tpu.memory_space<vmem>>
    %dma_wait3A_78 = tpu.memref_slice %arg2[%dma_wait3A, %mul3A_2] : memref<4x2048xi32, #tpu.memory_space<hbm>> -> memref<1x64xi32, #tpu.memory_space<hbm>>
    %dma_wait3A_79 = tpu.memref_squeeze %dma_wait3A_78 : memref<1x64xi32, #tpu.memory_space<hbm>> -> memref<64xi32, #tpu.memory_space<hbm>>
    tpu.wait_dma2 semaphore(%dma_wait3A_74 : memref<!tpu.dma_semaphore, #tpu.memory_space<semaphore_mem>>) src(%dma_wait3A_79 : memref<64xi32, #tpu.memory_space<hbm>>) dst(%dma_wait3A_77 : memref<64xi32, #tpu.memory_space<vmem>>)
    %dma_wait3A_80 = arith.constant 1 : i32
    %dma_wait3A_81 = arith.constant 0 : i32
    %dma_wait3A_82 = arith.constant 1 : i32
    %dma_wait3A_83 = arith.constant 64 : i32
    %dma_wait3A_84 = tpu.memref_slice %arg6[%dma_wait3A_81, %dma_wait3A_83] : memref<2x128xi32, #tpu.memory_space<vmem>> -> memref<1x64xi32, #tpu.memory_space<vmem>>
    %dma_wait3A_85 = tpu.memref_squeeze %dma_wait3A_84 : memref<1x64xi32, #tpu.memory_space<vmem>> -> memref<64xi32, #tpu.memory_space<vmem>>
    %dma_wait3A_86 = tpu.memref_slice %arg2[%dma_wait3A_80, %mul3A_2] : memref<4x2048xi32, #tpu.memory_space<hbm>> -> memref<1x64xi32, #tpu.memory_space<hbm>>
    %dma_wait3A_87 = tpu.memref_squeeze %dma_wait3A_86 : memref<1x64xi32, #tpu.memory_space<hbm>> -> memref<64xi32, #tpu.memory_space<hbm>>
    %dma_wait3A_88 = tpu.memref_slice %arg11[%dma_wait3A_82] : memref<4x!tpu.dma_semaphore, #tpu.memory_space<semaphore_mem>> -> memref<1x!tpu.dma_semaphore, #tpu.memory_space<semaphore_mem>>
    %dma_wait3A_89 = tpu.memref_squeeze %dma_wait3A_88 : memref<1x!tpu.dma_semaphore, #tpu.memory_space<semaphore_mem>> -> memref<!tpu.dma_semaphore, #tpu.memory_space<semaphore_mem>>
    %dma_wait3A_90 = arith.constant 64 : i32
    %dma_wait3A_91 = tpu.memref_slice %arg6[%dma_wait3A_81, %dma_wait3A_90] : memref<2x128xi32, #tpu.memory_space<vmem>> -> memref<1x64xi32, #tpu.memory_space<vmem>>
    %dma_wait3A_92 = tpu.memref_squeeze %dma_wait3A_91 : memref<1x64xi32, #tpu.memory_space<vmem>> -> memref<64xi32, #tpu.memory_space<vmem>>
    %dma_wait3A_93 = tpu.memref_slice %arg2[%dma_wait3A_80, %mul3A_2] : memref<4x2048xi32, #tpu.memory_space<hbm>> -> memref<1x64xi32, #tpu.memory_space<hbm>>
    %dma_wait3A_94 = tpu.memref_squeeze %dma_wait3A_93 : memref<1x64xi32, #tpu.memory_space<hbm>> -> memref<64xi32, #tpu.memory_space<hbm>>
    tpu.wait_dma2 semaphore(%dma_wait3A_89 : memref<!tpu.dma_semaphore, #tpu.memory_space<semaphore_mem>>) src(%dma_wait3A_94 : memref<64xi32, #tpu.memory_space<hbm>>) dst(%dma_wait3A_92 : memref<64xi32, #tpu.memory_space<vmem>>)
    %dma_start3A_95 = arith.constant 0 : i32
    %dma_start3A_96 = arith.constant 0 : i32
    %dma_start3A_97 = arith.constant 0 : i32
    %dma_start3A_98 = arith.constant 0 : i32
    %dma_start3A_99 = tpu.memref_slice %arg7[%dma_start3A_97, %dma_start3A_98] : memref<256x128xf32, #tpu.memory_space<vmem>> -> memref<128x128xf32, #tpu.memory_space<vmem>>
    %dma_start3A_100 = arith.constant 0 : i32
    %dma_start3A_101 = tpu.memref_slice %arg6[%dma_start3A_95, %dma_start3A_100] : memref<2x128xi32, #tpu.memory_space<vmem>> -> memref<1x128xi32, #tpu.memory_space<vmem>>
    %dma_start3A_102 = tpu.memref_squeeze %dma_start3A_101 : memref<1x128xi32, #tpu.memory_space<vmem>> -> memref<128xi32, #tpu.memory_space<vmem>>
    %dma_start3A_103 = arith.constant 0 : i32
    %dma_start3A_104 = arith.constant 0 : i32
    %dma_start3A_105 = tpu.memref_slice %arg3[%dma_start3A_103, %dma_start3A_104] : memref<100000x128xf32, #tpu.memory_space<hbm>> -> memref<100000x128xf32, #tpu.memory_space<hbm>>
    %dma_start3A_106 = tpu.memref_slice %arg9[%dma_start3A_96] : memref<2x!tpu.dma_semaphore, #tpu.memory_space<semaphore_mem>> -> memref<1x!tpu.dma_semaphore, #tpu.memory_space<semaphore_mem>>
    %dma_start3A_107 = tpu.memref_squeeze %dma_start3A_106 : memref<1x!tpu.dma_semaphore, #tpu.memory_space<semaphore_mem>> -> memref<!tpu.dma_semaphore, #tpu.memory_space<semaphore_mem>>
    tpu.enqueue_indirect_dma source(%dma_start3A_105 : memref<100000x128xf32, #tpu.memory_space<hbm>>) target(%dma_start3A_99 : memref<128x128xf32, #tpu.memory_space<vmem>>) offsets(%dma_start3A_102 : memref<128xi32, #tpu.memory_space<vmem>>) semaphore(%dma_start3A_107 : memref<!tpu.dma_semaphore, #tpu.memory_space<semaphore_mem>>)
    %dma_wait3A_108 = arith.constant 2 : i32
    %dma_wait3A_109 = arith.constant 1 : i32
    %dma_wait3A_110 = arith.constant 2 : i32
    %dma_wait3A_111 = arith.constant 0 : i32
    %dma_wait3A_112 = tpu.memref_slice %arg6[%dma_wait3A_109, %dma_wait3A_111] : memref<2x128xi32, #tpu.memory_space<vmem>> -> memref<1x64xi32, #tpu.memory_space<vmem>>
    %dma_wait3A_113 = tpu.memref_squeeze %dma_wait3A_112 : memref<1x64xi32, #tpu.memory_space<vmem>> -> memref<64xi32, #tpu.memory_space<vmem>>
    %dma_wait3A_114 = tpu.memref_slice %arg2[%dma_wait3A_108, %mul3A_2] : memref<4x2048xi32, #tpu.memory_space<hbm>> -> memref<1x64xi32, #tpu.memory_space<hbm>>
    %dma_wait3A_115 = tpu.memref_squeeze %dma_wait3A_114 : memref<1x64xi32, #tpu.memory_space<hbm>> -> memref<64xi32, #tpu.memory_space<hbm>>
    %dma_wait3A_116 = tpu.memref_slice %arg11[%dma_wait3A_110] : memref<4x!tpu.dma_semaphore, #tpu.memory_space<semaphore_mem>> -> memref<1x!tpu.dma_semaphore, #tpu.memory_space<semaphore_mem>>
    %dma_wait3A_117 = tpu.memref_squeeze %dma_wait3A_116 : memref<1x!tpu.dma_semaphore, #tpu.memory_space<semaphore_mem>> -> memref<!tpu.dma_semaphore, #tpu.memory_space<semaphore_mem>>
    %dma_wait3A_118 = arith.constant 0 : i32
    %dma_wait3A_119 = tpu.memref_slice %arg6[%dma_wait3A_109, %dma_wait3A_118] : memref<2x128xi32, #tpu.memory_space<vmem>> -> memref<1x64xi32, #tpu.memory_space<vmem>>
    %dma_wait3A_120 = tpu.memref_squeeze %dma_wait3A_119 : memref<1x64xi32, #tpu.memory_space<vmem>> -> memref<64xi32, #tpu.memory_space<vmem>>
    %dma_wait3A_121 = tpu.memref_slice %arg2[%dma_wait3A_108, %mul3A_2] : memref<4x2048xi32, #tpu.memory_space<hbm>> -> memref<1x64xi32, #tpu.memory_space<hbm>>
    %dma_wait3A_122 = tpu.memref_squeeze %dma_wait3A_121 : memref<1x64xi32, #tpu.memory_space<hbm>> -> memref<64xi32, #tpu.memory_space<hbm>>
    tpu.wait_dma2 semaphore(%dma_wait3A_117 : memref<!tpu.dma_semaphore, #tpu.memory_space<semaphore_mem>>) src(%dma_wait3A_122 : memref<64xi32, #tpu.memory_space<hbm>>) dst(%dma_wait3A_120 : memref<64xi32, #tpu.memory_space<vmem>>)
    %dma_wait3A_123 = arith.constant 3 : i32
    %dma_wait3A_124 = arith.constant 1 : i32
    %dma_wait3A_125 = arith.constant 3 : i32
    %dma_wait3A_126 = arith.constant 64 : i32
    %dma_wait3A_127 = tpu.memref_slice %arg6[%dma_wait3A_124, %dma_wait3A_126] : memref<2x128xi32, #tpu.memory_space<vmem>> -> memref<1x64xi32, #tpu.memory_space<vmem>>
    %dma_wait3A_128 = tpu.memref_squeeze %dma_wait3A_127 : memref<1x64xi32, #tpu.memory_space<vmem>> -> memref<64xi32, #tpu.memory_space<vmem>>
    %dma_wait3A_129 = tpu.memref_slice %arg2[%dma_wait3A_123, %mul3A_2] : memref<4x2048xi32, #tpu.memory_space<hbm>> -> memref<1x64xi32, #tpu.memory_space<hbm>>
    %dma_wait3A_130 = tpu.memref_squeeze %dma_wait3A_129 : memref<1x64xi32, #tpu.memory_space<hbm>> -> memref<64xi32, #tpu.memory_space<hbm>>
    %dma_wait3A_131 = tpu.memref_slice %arg11[%dma_wait3A_125] : memref<4x!tpu.dma_semaphore, #tpu.memory_space<semaphore_mem>> -> memref<1x!tpu.dma_semaphore, #tpu.memory_space<semaphore_mem>>
    %dma_wait3A_132 = tpu.memref_squeeze %dma_wait3A_131 : memref<1x!tpu.dma_semaphore, #tpu.memory_space<semaphore_mem>> -> memref<!tpu.dma_semaphore, #tpu.memory_space<semaphore_mem>>
    %dma_wait3A_133 = arith.constant 64 : i32
    %dma_wait3A_134 = tpu.memref_slice %arg6[%dma_wait3A_124, %dma_wait3A_133] : memref<2x128xi32, #tpu.memory_space<vmem>> -> memref<1x64xi32, #tpu.memory_space<vmem>>
    %dma_wait3A_135 = tpu.memref_squeeze %dma_wait3A_134 : memref<1x64xi32, #tpu.memory_space<vmem>> -> memref<64xi32, #tpu.memory_space<vmem>>
    %dma_wait3A_136 = tpu.memref_slice %arg2[%dma_wait3A_123, %mul3A_2] : memref<4x2048xi32, #tpu.memory_space<hbm>> -> memref<1x64xi32, #tpu.memory_space<hbm>>
    %dma_wait3A_137 = tpu.memref_squeeze %dma_wait3A_136 : memref<1x64xi32, #tpu.memory_space<hbm>> -> memref<64xi32, #tpu.memory_space<hbm>>
    tpu.wait_dma2 semaphore(%dma_wait3A_132 : memref<!tpu.dma_semaphore, #tpu.memory_space<semaphore_mem>>) src(%dma_wait3A_137 : memref<64xi32, #tpu.memory_space<hbm>>) dst(%dma_wait3A_135 : memref<64xi32, #tpu.memory_space<vmem>>)
    %dma_start3A_138 = arith.constant 1 : i32
    %dma_start3A_139 = arith.constant 1 : i32
    %dma_start3A_140 = arith.constant 128 : i32
    %dma_start3A_141 = arith.constant 0 : i32
    %dma_start3A_142 = tpu.memref_slice %arg7[%dma_start3A_140, %dma_start3A_141] : memref<256x128xf32, #tpu.memory_space<vmem>> -> memref<128x128xf32, #tpu.memory_space<vmem>>
    %dma_start3A_143 = arith.constant 0 : i32
    %dma_start3A_144 = tpu.memref_slice %arg6[%dma_start3A_138, %dma_start3A_143] : memref<2x128xi32, #tpu.memory_space<vmem>> -> memref<1x128xi32, #tpu.memory_space<vmem>>
    %dma_start3A_145 = tpu.memref_squeeze %dma_start3A_144 : memref<1x128xi32, #tpu.memory_space<vmem>> -> memref<128xi32, #tpu.memory_space<vmem>>
    %dma_start3A_146 = arith.constant 0 : i32
    %dma_start3A_147 = arith.constant 0 : i32
    %dma_start3A_148 = tpu.memref_slice %arg3[%dma_start3A_146, %dma_start3A_147] : memref<100000x128xf32, #tpu.memory_space<hbm>> -> memref<100000x128xf32, #tpu.memory_space<hbm>>
    %dma_start3A_149 = tpu.memref_slice %arg9[%dma_start3A_139] : memref<2x!tpu.dma_semaphore, #tpu.memory_space<semaphore_mem>> -> memref<1x!tpu.dma_semaphore, #tpu.memory_space<semaphore_mem>>
    %dma_start3A_150 = tpu.memref_squeeze %dma_start3A_149 : memref<1x!tpu.dma_semaphore, #tpu.memory_space<semaphore_mem>> -> memref<!tpu.dma_semaphore, #tpu.memory_space<semaphore_mem>>
    tpu.enqueue_indirect_dma source(%dma_start3A_148 : memref<100000x128xf32, #tpu.memory_space<hbm>>) target(%dma_start3A_142 : memref<128x128xf32, #tpu.memory_space<vmem>>) offsets(%dma_start3A_145 : memref<128xi32, #tpu.memory_space<vmem>>) semaphore(%dma_start3A_150 : memref<!tpu.dma_semaphore, #tpu.memory_space<semaphore_mem>>)
    %dma_wait3A_151 = arith.constant 0 : i32
    %dma_wait3A_152 = tpu.memref_slice %arg4[%mul3A_2, %dma_wait3A_151] : memref<2048x128xf32, #tpu.memory_space<hbm>> -> memref<64x128xf32, #tpu.memory_space<hbm>>
    %dma_wait3A_153 = arith.constant 0 : i32
    %dma_wait3A_154 = tpu.memref_slice %arg4[%mul3A_2, %dma_wait3A_153] : memref<2048x128xf32, #tpu.memory_space<hbm>> -> memref<64x128xf32, #tpu.memory_space<hbm>>
    tpu.wait_dma2 semaphore(%arg12 : memref<!tpu.dma_semaphore, #tpu.memory_space<semaphore_mem>>) src(%dma_wait3A_154 : memref<64x128xf32, #tpu.memory_space<hbm>>) dst(%arg8 : memref<64x128xf32, #tpu.memory_space<vmem>>)
    %dma_wait3A_155 = arith.constant 0 : i32
    %dma_wait3A_156 = arith.constant 0 : i32
    %dma_wait3A_157 = arith.constant 0 : i32
    %dma_wait3A_158 = arith.constant 0 : i32
    %dma_wait3A_159 = tpu.memref_slice %arg7[%dma_wait3A_157, %dma_wait3A_158] : memref<256x128xf32, #tpu.memory_space<vmem>> -> memref<128x128xf32, #tpu.memory_space<vmem>>
    %dma_wait3A_160 = arith.constant 0 : i32
    %dma_wait3A_161 = tpu.memref_slice %arg6[%dma_wait3A_155, %dma_wait3A_160] : memref<2x128xi32, #tpu.memory_space<vmem>> -> memref<1x128xi32, #tpu.memory_space<vmem>>
    %dma_wait3A_162 = tpu.memref_squeeze %dma_wait3A_161 : memref<1x128xi32, #tpu.memory_space<vmem>> -> memref<128xi32, #tpu.memory_space<vmem>>
    %dma_wait3A_163 = arith.constant 0 : i32
    %dma_wait3A_164 = arith.constant 0 : i32
    %dma_wait3A_165 = tpu.memref_slice %arg3[%dma_wait3A_163, %dma_wait3A_164] : memref<100000x128xf32, #tpu.memory_space<hbm>> -> memref<100000x128xf32, #tpu.memory_space<hbm>>
    %dma_wait3A_166 = tpu.memref_slice %arg9[%dma_wait3A_156] : memref<2x!tpu.dma_semaphore, #tpu.memory_space<semaphore_mem>> -> memref<1x!tpu.dma_semaphore, #tpu.memory_space<semaphore_mem>>
    %dma_wait3A_167 = tpu.memref_squeeze %dma_wait3A_166 : memref<1x!tpu.dma_semaphore, #tpu.memory_space<semaphore_mem>> -> memref<!tpu.dma_semaphore, #tpu.memory_space<semaphore_mem>>
    tpu.wait_indirect_dma semaphore(%dma_wait3A_167 : memref<!tpu.dma_semaphore, #tpu.memory_space<semaphore_mem>>) src(%dma_wait3A_165 : memref<100000x128xf32, #tpu.memory_space<hbm>>) dst(%dma_wait3A_159 : memref<128x128xf32, #tpu.memory_space<vmem>>)
    %scan3A = arith.constant 0 : i32
    %scan3A_168 = arith.constant 0 : i32
    %scan3A_169 = arith.constant 64 : i32
    %scan3A_170 = arith.addi %scan3A_168, %scan3A_169 : i32
    %scan3A_171 = arith.constant 1 : i32
    scf.for %scan3A_304 = %scan3A_168 to %scan3A_170 step %scan3A_171  : i32 {
      %get3A = arith.index_cast %scan3A_304 : i32 to index
      %get3A_305 = arith.constant 0 : index
      %get3A_306 = tpu.vector_load %arg8[%get3A, %get3A_305] {strides = array<i32>} : memref<64x128xf32, #tpu.memory_space<vmem>>, vector<1x16xf32>,
      %get3A_307 = vector.shape_cast %get3A_306 : vector<1x16xf32> to vector<16xf32>
      %get3A_308 = arith.index_cast %scan3A_304 : i32 to index
      %get3A_309 = arith.constant 16 : index
      %get3A_310 = tpu.vector_load %arg8[%get3A_308, %get3A_309] {strides = array<i32>} : memref<64x128xf32, #tpu.memory_space<vmem>>, vector<1x16xf32>,
      %get3A_311 = vector.shape_cast %get3A_310 : vector<1x16xf32> to vector<16xf32>
      %get3A_312 = arith.index_cast %scan3A_304 : i32 to index
      %get3A_313 = arith.constant 32 : index
      %get3A_314 = tpu.vector_load %arg8[%get3A_312, %get3A_313] {strides = array<i32>} : memref<64x128xf32, #tpu.memory_space<vmem>>, vector<1x16xf32>,
      %get3A_315 = vector.shape_cast %get3A_314 : vector<1x16xf32> to vector<16xf32>
      %get3A_316 = arith.index_cast %scan3A_304 : i32 to index
      %get3A_317 = arith.constant 48 : index
      %get3A_318 = tpu.vector_load %arg8[%get3A_316, %get3A_317] {strides = array<i32>} : memref<64x128xf32, #tpu.memory_space<vmem>>, vector<1x16xf32>,
      %get3A_319 = vector.shape_cast %get3A_318 : vector<1x16xf32> to vector<16xf32>
      %get3A_320 = arith.index_cast %scan3A_304 : i32 to index
      %get3A_321 = arith.constant 64 : index
      %get3A_322 = tpu.vector_load %arg8[%get3A_320, %get3A_321] {strides = array<i32>} : memref<64x128xf32, #tpu.memory_space<vmem>>, vector<1x16xf32>,
      %get3A_323 = vector.shape_cast %get3A_322 : vector<1x16xf32> to vector<16xf32>
      %get3A_324 = arith.index_cast %scan3A_304 : i32 to index
      %get3A_325 = arith.constant 80 : index
      %get3A_326 = tpu.vector_load %arg8[%get3A_324, %get3A_325] {strides = array<i32>} : memref<64x128xf32, #tpu.memory_space<vmem>>, vector<1x16xf32>,
      %get3A_327 = vector.shape_cast %get3A_326 : vector<1x16xf32> to vector<16xf32>
      %get3A_328 = arith.index_cast %scan3A_304 : i32 to index
      %get3A_329 = arith.constant 96 : index
      %get3A_330 = tpu.vector_load %arg8[%get3A_328, %get3A_329] {strides = array<i32>} : memref<64x128xf32, #tpu.memory_space<vmem>>, vector<1x16xf32>,
      %get3A_331 = vector.shape_cast %get3A_330 : vector<1x16xf32> to vector<16xf32>
      %get3A_332 = arith.index_cast %scan3A_304 : i32 to index
      %get3A_333 = arith.constant 112 : index
      %get3A_334 = tpu.vector_load %arg8[%get3A_332, %get3A_333] {strides = array<i32>} : memref<64x128xf32, #tpu.memory_space<vmem>>, vector<1x16xf32>,
      %get3A_335 = vector.shape_cast %get3A_334 : vector<1x16xf32> to vector<16xf32>
      %add3A_336 = arith.constant 0 : i32
      %add3A_337 = arith.addi %add3A_336, %scan3A_304 : i32
      %swap3A = arith.index_cast %add3A_337 : i32 to index
      %swap3A_338 = arith.constant 0 : index
      %swap3A_339 = tpu.vector_load %arg7[%swap3A, %swap3A_338] {strides = array<i32>} : memref<256x128xf32, #tpu.memory_space<vmem>>, vector<1x16xf32>,
      %swap3A_340 = vector.shape_cast %swap3A_339 : vector<1x16xf32> to vector<16xf32>
      %swap3A_341 = vector.shape_cast %get3A_307 : vector<16xf32> to vector<1x16xf32>
      tpu.vector_store %arg7[%swap3A, %swap3A_338], %swap3A_341 {add = true, strides = array<i32>} : memref<256x128xf32, #tpu.memory_space<vmem>>, vector<1x16xf32>,
      %add3A_342 = arith.constant 0 : i32
      %add3A_343 = arith.addi %add3A_342, %scan3A_304 : i32
      %swap3A_344 = arith.index_cast %add3A_343 : i32 to index
      %swap3A_345 = arith.constant 16 : index
      %swap3A_346 = tpu.vector_load %arg7[%swap3A_344, %swap3A_345] {strides = array<i32>} : memref<256x128xf32, #tpu.memory_space<vmem>>, vector<1x16xf32>,
      %swap3A_347 = vector.shape_cast %swap3A_346 : vector<1x16xf32> to vector<16xf32>
      %swap3A_348 = vector.shape_cast %get3A_311 : vector<16xf32> to vector<1x16xf32>
      tpu.vector_store %arg7[%swap3A_344, %swap3A_345], %swap3A_348 {add = true, strides = array<i32>} : memref<256x128xf32, #tpu.memory_space<vmem>>, vector<1x16xf32>,
      %add3A_349 = arith.constant 0 : i32
      %add3A_350 = arith.addi %add3A_349, %scan3A_304 : i32
      %swap3A_351 = arith.index_cast %add3A_350 : i32 to index
      %swap3A_352 = arith.constant 32 : index
      %swap3A_353 = tpu.vector_load %arg7[%swap3A_351, %swap3A_352] {strides = array<i32>} : memref<256x128xf32, #tpu.memory_space<vmem>>, vector<1x16xf32>,
      %swap3A_354 = vector.shape_cast %swap3A_353 : vector<1x16xf32> to vector<16xf32>
      %swap3A_355 = vector.shape_cast %get3A_315 : vector<16xf32> to vector<1x16xf32>
      tpu.vector_store %arg7[%swap3A_351, %swap3A_352], %swap3A_355 {add = true, strides = array<i32>} : memref<256x128xf32, #tpu.memory_space<vmem>>, vector<1x16xf32>,
      %add3A_356 = arith.constant 0 : i32
      %add3A_357 = arith.addi %add3A_356, %scan3A_304 : i32
      %swap3A_358 = arith.index_cast %add3A_357 : i32 to index
      %swap3A_359 = arith.constant 48 : index
      %swap3A_360 = tpu.vector_load %arg7[%swap3A_358, %swap3A_359] {strides = array<i32>} : memref<256x128xf32, #tpu.memory_space<vmem>>, vector<1x16xf32>,
      %swap3A_361 = vector.shape_cast %swap3A_360 : vector<1x16xf32> to vector<16xf32>
      %swap3A_362 = vector.shape_cast %get3A_319 : vector<16xf32> to vector<1x16xf32>
      tpu.vector_store %arg7[%swap3A_358, %swap3A_359], %swap3A_362 {add = true, strides = array<i32>} : memref<256x128xf32, #tpu.memory_space<vmem>>, vector<1x16xf32>,
      %add3A_363 = arith.constant 0 : i32
      %add3A_364 = arith.addi %add3A_363, %scan3A_304 : i32
      %swap3A_365 = arith.index_cast %add3A_364 : i32 to index
      %swap3A_366 = arith.constant 64 : index
      %swap3A_367 = tpu.vector_load %arg7[%swap3A_365, %swap3A_366] {strides = array<i32>} : memref<256x128xf32, #tpu.memory_space<vmem>>, vector<1x16xf32>,
      %swap3A_368 = vector.shape_cast %swap3A_367 : vector<1x16xf32> to vector<16xf32>
      %swap3A_369 = vector.shape_cast %get3A_323 : vector<16xf32> to vector<1x16xf32>
      tpu.vector_store %arg7[%swap3A_365, %swap3A_366], %swap3A_369 {add = true, strides = array<i32>} : memref<256x128xf32, #tpu.memory_space<vmem>>, vector<1x16xf32>,
      %add3A_370 = arith.constant 0 : i32
      %add3A_371 = arith.addi %add3A_370, %scan3A_304 : i32
      %swap3A_372 = arith.index_cast %add3A_371 : i32 to index
      %swap3A_373 = arith.constant 80 : index
      %swap3A_374 = tpu.vector_load %arg7[%swap3A_372, %swap3A_373] {strides = array<i32>} : memref<256x128xf32, #tpu.memory_space<vmem>>, vector<1x16xf32>,
      %swap3A_375 = vector.shape_cast %swap3A_374 : vector<1x16xf32> to vector<16xf32>
      %swap3A_376 = vector.shape_cast %get3A_327 : vector<16xf32> to vector<1x16xf32>
      tpu.vector_store %arg7[%swap3A_372, %swap3A_373], %swap3A_376 {add = true, strides = array<i32>} : memref<256x128xf32, #tpu.memory_space<vmem>>, vector<1x16xf32>,
      %add3A_377 = arith.constant 0 : i32
      %add3A_378 = arith.addi %add3A_377, %scan3A_304 : i32
      %swap3A_379 = arith.index_cast %add3A_378 : i32 to index
      %swap3A_380 = arith.constant 96 : index
      %swap3A_381 = tpu.vector_load %arg7[%swap3A_379, %swap3A_380] {strides = array<i32>} : memref<256x128xf32, #tpu.memory_space<vmem>>, vector<1x16xf32>,
      %swap3A_382 = vector.shape_cast %swap3A_381 : vector<1x16xf32> to vector<16xf32>
      %swap3A_383 = vector.shape_cast %get3A_331 : vector<16xf32> to vector<1x16xf32>
      tpu.vector_store %arg7[%swap3A_379, %swap3A_380], %swap3A_383 {add = true, strides = array<i32>} : memref<256x128xf32, #tpu.memory_space<vmem>>, vector<1x16xf32>,
      %add3A_384 = arith.constant 0 : i32
      %add3A_385 = arith.addi %add3A_384, %scan3A_304 : i32
      %swap3A_386 = arith.index_cast %add3A_385 : i32 to index
      %swap3A_387 = arith.constant 112 : index
      %swap3A_388 = tpu.vector_load %arg7[%swap3A_386, %swap3A_387] {strides = array<i32>} : memref<256x128xf32, #tpu.memory_space<vmem>>, vector<1x16xf32>,
      %swap3A_389 = vector.shape_cast %swap3A_388 : vector<1x16xf32> to vector<16xf32>
      %swap3A_390 = vector.shape_cast %get3A_335 : vector<16xf32> to vector<1x16xf32>
      tpu.vector_store %arg7[%swap3A_386, %swap3A_387], %swap3A_390 {add = true, strides = array<i32>} : memref<256x128xf32, #tpu.memory_space<vmem>>, vector<1x16xf32>,
      %add3A_391 = arith.constant 64 : i32
      %add3A_392 = arith.addi %add3A_391, %scan3A_304 : i32
      %swap3A_393 = arith.index_cast %add3A_392 : i32 to index
      %swap3A_394 = arith.constant 0 : index
      %swap3A_395 = tpu.vector_load %arg7[%swap3A_393, %swap3A_394] {strides = array<i32>} : memref<256x128xf32, #tpu.memory_space<vmem>>, vector<1x16xf32>,
      %swap3A_396 = vector.shape_cast %swap3A_395 : vector<1x16xf32> to vector<16xf32>
      %swap3A_397 = vector.shape_cast %get3A_307 : vector<16xf32> to vector<1x16xf32>
      tpu.vector_store %arg7[%swap3A_393, %swap3A_394], %swap3A_397 {add = true, strides = array<i32>} : memref<256x128xf32, #tpu.memory_space<vmem>>, vector<1x16xf32>,
      %add3A_398 = arith.constant 64 : i32
      %add3A_399 = arith.addi %add3A_398, %scan3A_304 : i32
      %swap3A_400 = arith.index_cast %add3A_399 : i32 to index
      %swap3A_401 = arith.constant 16 : index
      %swap3A_402 = tpu.vector_load %arg7[%swap3A_400, %swap3A_401] {strides = array<i32>} : memref<256x128xf32, #tpu.memory_space<vmem>>, vector<1x16xf32>,
      %swap3A_403 = vector.shape_cast %swap3A_402 : vector<1x16xf32> to vector<16xf32>
      %swap3A_404 = vector.shape_cast %get3A_311 : vector<16xf32> to vector<1x16xf32>
      tpu.vector_store %arg7[%swap3A_400, %swap3A_401], %swap3A_404 {add = true, strides = array<i32>} : memref<256x128xf32, #tpu.memory_space<vmem>>, vector<1x16xf32>,
      %add3A_405 = arith.constant 64 : i32
      %add3A_406 = arith.addi %add3A_405, %scan3A_304 : i32
      %swap3A_407 = arith.index_cast %add3A_406 : i32 to index
      %swap3A_408 = arith.constant 32 : index
      %swap3A_409 = tpu.vector_load %arg7[%swap3A_407, %swap3A_408] {strides = array<i32>} : memref<256x128xf32, #tpu.memory_space<vmem>>, vector<1x16xf32>,
      %swap3A_410 = vector.shape_cast %swap3A_409 : vector<1x16xf32> to vector<16xf32>
      %swap3A_411 = vector.shape_cast %get3A_315 : vector<16xf32> to vector<1x16xf32>
      tpu.vector_store %arg7[%swap3A_407, %swap3A_408], %swap3A_411 {add = true, strides = array<i32>} : memref<256x128xf32, #tpu.memory_space<vmem>>, vector<1x16xf32>,
      %add3A_412 = arith.constant 64 : i32
      %add3A_413 = arith.addi %add3A_412, %scan3A_304 : i32
      %swap3A_414 = arith.index_cast %add3A_413 : i32 to index
      %swap3A_415 = arith.constant 48 : index
      %swap3A_416 = tpu.vector_load %arg7[%swap3A_414, %swap3A_415] {strides = array<i32>} : memref<256x128xf32, #tpu.memory_space<vmem>>, vector<1x16xf32>,
      %swap3A_417 = vector.shape_cast %swap3A_416 : vector<1x16xf32> to vector<16xf32>
      %swap3A_418 = vector.shape_cast %get3A_319 : vector<16xf32> to vector<1x16xf32>
      tpu.vector_store %arg7[%swap3A_414, %swap3A_415], %swap3A_418 {add = true, strides = array<i32>} : memref<256x128xf32, #tpu.memory_space<vmem>>, vector<1x16xf32>,
      %add3A_419 = arith.constant 64 : i32
      %add3A_420 = arith.addi %add3A_419, %scan3A_304 : i32
      %swap3A_421 = arith.index_cast %add3A_420 : i32 to index
      %swap3A_422 = arith.constant 64 : index
      %swap3A_423 = tpu.vector_load %arg7[%swap3A_421, %swap3A_422] {strides = array<i32>} : memref<256x128xf32, #tpu.memory_space<vmem>>, vector<1x16xf32>,
      %swap3A_424 = vector.shape_cast %swap3A_423 : vector<1x16xf32> to vector<16xf32>
      %swap3A_425 = vector.shape_cast %get3A_323 : vector<16xf32> to vector<1x16xf32>
      tpu.vector_store %arg7[%swap3A_421, %swap3A_422], %swap3A_425 {add = true, strides = array<i32>} : memref<256x128xf32, #tpu.memory_space<vmem>>, vector<1x16xf32>,
      %add3A_426 = arith.constant 64 : i32
      %add3A_427 = arith.addi %add3A_426, %scan3A_304 : i32
      %swap3A_428 = arith.index_cast %add3A_427 : i32 to index
      %swap3A_429 = arith.constant 80 : index
      %swap3A_430 = tpu.vector_load %arg7[%swap3A_428, %swap3A_429] {strides = array<i32>} : memref<256x128xf32, #tpu.memory_space<vmem>>, vector<1x16xf32>,
      %swap3A_431 = vector.shape_cast %swap3A_430 : vector<1x16xf32> to vector<16xf32>
      %swap3A_432 = vector.shape_cast %get3A_327 : vector<16xf32> to vector<1x16xf32>
      tpu.vector_store %arg7[%swap3A_428, %swap3A_429], %swap3A_432 {add = true, strides = array<i32>} : memref<256x128xf32, #tpu.memory_space<vmem>>, vector<1x16xf32>,
      %add3A_433 = arith.constant 64 : i32
      %add3A_434 = arith.addi %add3A_433, %scan3A_304 : i32
      %swap3A_435 = arith.index_cast %add3A_434 : i32 to index
      %swap3A_436 = arith.constant 96 : index
      %swap3A_437 = tpu.vector_load %arg7[%swap3A_435, %swap3A_436] {strides = array<i32>} : memref<256x128xf32, #tpu.memory_space<vmem>>, vector<1x16xf32>,
      %swap3A_438 = vector.shape_cast %swap3A_437 : vector<1x16xf32> to vector<16xf32>
      %swap3A_439 = vector.shape_cast %get3A_331 : vector<16xf32> to vector<1x16xf32>
      tpu.vector_store %arg7[%swap3A_435, %swap3A_436], %swap3A_439 {add = true, strides = array<i32>} : memref<256x128xf32, #tpu.memory_space<vmem>>, vector<1x16xf32>,
      %add3A_440 = arith.constant 64 : i32
      %add3A_441 = arith.addi %add3A_440, %scan3A_304 : i32
      %swap3A_442 = arith.index_cast %add3A_441 : i32 to index
      %swap3A_443 = arith.constant 112 : index
      %swap3A_444 = tpu.vector_load %arg7[%swap3A_442, %swap3A_443] {strides = array<i32>} : memref<256x128xf32, #tpu.memory_space<vmem>>, vector<1x16xf32>,
      %swap3A_445 = vector.shape_cast %swap3A_444 : vector<1x16xf32> to vector<16xf32>
      %swap3A_446 = vector.shape_cast %get3A_335 : vector<16xf32> to vector<1x16xf32>
      tpu.vector_store %arg7[%swap3A_442, %swap3A_443], %swap3A_446 {add = true, strides = array<i32>} : memref<256x128xf32, #tpu.memory_space<vmem>>, vector<1x16xf32>,
    }
    %scan3A_172 = arith.constant 64 : i32
    %add3A_173 = arith.constant 0 : i32
    %add3A_174 = arith.addi %add3A_173, %mul3A_2 : i32
    %dma_start3A_175 = arith.constant 0 : i32
    %dma_start3A_176 = arith.constant 0 : i32
    %dma_start3A_177 = arith.constant 0 : i32
    %dma_start3A_178 = tpu.memref_slice %arg7[%dma_start3A_176, %dma_start3A_177] : memref<256x128xf32, #tpu.memory_space<vmem>> -> memref<64x128xf32, #tpu.memory_space<vmem>>
    %dma_start3A_179 = arith.constant 0 : i32
    %dma_start3A_180 = tpu.memref_slice %arg5[%add3A_174, %dma_start3A_179] : memref<8192x128xf32, #tpu.memory_space<hbm>> -> memref<64x128xf32, #tpu.memory_space<hbm>>
    %dma_start3A_181 = tpu.memref_slice %arg10[%dma_start3A_175] : memref<4x!tpu.dma_semaphore, #tpu.memory_space<semaphore_mem>> -> memref<1x!tpu.dma_semaphore, #tpu.memory_space<semaphore_mem>>
    %dma_start3A_182 = tpu.memref_squeeze %dma_start3A_181 : memref<1x!tpu.dma_semaphore, #tpu.memory_space<semaphore_mem>> -> memref<!tpu.dma_semaphore, #tpu.memory_space<semaphore_mem>>
    %dma_start3A_183 = arith.constant 0 : i32
    %dma_start3A_184 = tpu.memref_slice %arg5[%add3A_174, %dma_start3A_183] : memref<8192x128xf32, #tpu.memory_space<hbm>> -> memref<64x128xf32, #tpu.memory_space<hbm>>
    %dma_start3A_185 = arith.constant 0 : i32
    %dma_start3A_186 = arith.constant 0 : i32
    %dma_start3A_187 = tpu.memref_slice %arg7[%dma_start3A_185, %dma_start3A_186] : memref<256x128xf32, #tpu.memory_space<vmem>> -> memref<64x128xf32, #tpu.memory_space<vmem>>
    tpu.enqueue_dma source(%dma_start3A_187 : memref<64x128xf32, #tpu.memory_space<vmem>>) target(%dma_start3A_184 : memref<64x128xf32, #tpu.memory_space<hbm>>) target_semaphore(%dma_start3A_182 : memref<!tpu.dma_semaphore, #tpu.memory_space<semaphore_mem>>)
    %add3A_188 = arith.constant 2048 : i32
    %add3A_189 = arith.addi %add3A_188, %mul3A_2 : i32
    %dma_start3A_190 = arith.constant 1 : i32
    %dma_start3A_191 = arith.constant 64 : i32
    %dma_start3A_192 = arith.constant 0 : i32
    %dma_start3A_193 = tpu.memref_slice %arg7[%dma_start3A_191, %dma_start3A_192] : memref<256x128xf32, #tpu.memory_space<vmem>> -> memref<64x128xf32, #tpu.memory_space<vmem>>
    %dma_start3A_194 = arith.constant 0 : i32
    %dma_start3A_195 = tpu.memref_slice %arg5[%add3A_189, %dma_start3A_194] : memref<8192x128xf32, #tpu.memory_space<hbm>> -> memref<64x128xf32, #tpu.memory_space<hbm>>
    %dma_start3A_196 = tpu.memref_slice %arg10[%dma_start3A_190] : memref<4x!tpu.dma_semaphore, #tpu.memory_space<semaphore_mem>> -> memref<1x!tpu.dma_semaphore, #tpu.memory_space<semaphore_mem>>
    %dma_start3A_197 = tpu.memref_squeeze %dma_start3A_196 : memref<1x!tpu.dma_semaphore, #tpu.memory_space<semaphore_mem>> -> memref<!tpu.dma_semaphore, #tpu.memory_space<semaphore_mem>>
    %dma_start3A_198 = arith.constant 0 : i32
    %dma_start3A_199 = tpu.memref_slice %arg5[%add3A_189, %dma_start3A_198] : memref<8192x128xf32, #tpu.memory_space<hbm>> -> memref<64x128xf32, #tpu.memory_space<hbm>>
    %dma_start3A_200 = arith.constant 64 : i32
    %dma_start3A_201 = arith.constant 0 : i32
    %dma_start3A_202 = tpu.memref_slice %arg7[%dma_start3A_200, %dma_start3A_201] : memref<256x128xf32, #tpu.memory_space<vmem>> -> memref<64x128xf32, #tpu.memory_space<vmem>>
    tpu.enqueue_dma source(%dma_start3A_202 : memref<64x128xf32, #tpu.memory_space<vmem>>) target(%dma_start3A_199 : memref<64x128xf32, #tpu.memory_space<hbm>>) target_semaphore(%dma_start3A_197 : memref<!tpu.dma_semaphore, #tpu.memory_space<semaphore_mem>>)
    %dma_wait3A_203 = arith.constant 1 : i32
    %dma_wait3A_204 = arith.constant 1 : i32
    %dma_wait3A_205 = arith.constant 128 : i32
    %dma_wait3A_206 = arith.constant 0 : i32
    %dma_wait3A_207 = tpu.memref_slice %arg7[%dma_wait3A_205, %dma_wait3A_206] : memref<256x128xf32, #tpu.memory_space<vmem>> -> memref<128x128xf32, #tpu.memory_space<vmem>>
    %dma_wait3A_208 = arith.constant 0 : i32
    %dma_wait3A_209 = tpu.memref_slice %arg6[%dma_wait3A_203, %dma_wait3A_208] : memref<2x128xi32, #tpu.memory_space<vmem>> -> memref<1x128xi32, #tpu.memory_space<vmem>>
    %dma_wait3A_210 = tpu.memref_squeeze %dma_wait3A_209 : memref<1x128xi32, #tpu.memory_space<vmem>> -> memref<128xi32, #tpu.memory_space<vmem>>
    %dma_wait3A_211 = arith.constant 0 : i32
    %dma_wait3A_212 = arith.constant 0 : i32
    %dma_wait3A_213 = tpu.memref_slice %arg3[%dma_wait3A_211, %dma_wait3A_212] : memref<100000x128xf32, #tpu.memory_space<hbm>> -> memref<100000x128xf32, #tpu.memory_space<hbm>>
    %dma_wait3A_214 = tpu.memref_slice %arg9[%dma_wait3A_204] : memref<2x!tpu.dma_semaphore, #tpu.memory_space<semaphore_mem>> -> memref<1x!tpu.dma_semaphore, #tpu.memory_space<semaphore_mem>>
    %dma_wait3A_215 = tpu.memref_squeeze %dma_wait3A_214 : memref<1x!tpu.dma_semaphore, #tpu.memory_space<semaphore_mem>> -> memref<!tpu.dma_semaphore, #tpu.memory_space<semaphore_mem>>
    tpu.wait_indirect_dma semaphore(%dma_wait3A_215 : memref<!tpu.dma_semaphore, #tpu.memory_space<semaphore_mem>>) src(%dma_wait3A_213 : memref<100000x128xf32, #tpu.memory_space<hbm>>) dst(%dma_wait3A_207 : memref<128x128xf32, #tpu.memory_space<vmem>>)
    %scan3A_216 = arith.constant 0 : i32
    %scan3A_217 = arith.constant 0 : i32
    %scan3A_218 = arith.constant 64 : i32
    %scan3A_219 = arith.addi %scan3A_217, %scan3A_218 : i32
    %scan3A_220 = arith.constant 1 : i32
    scf.for %scan3A_304 = %scan3A_217 to %scan3A_219 step %scan3A_220  : i32 {
      %get3A = arith.index_cast %scan3A_304 : i32 to index
      %get3A_305 = arith.constant 0 : index
      %get3A_306 = tpu.vector_load %arg8[%get3A, %get3A_305] {strides = array<i32>} : memref<64x128xf32, #tpu.memory_space<vmem>>, vector<1x16xf32>,
      %get3A_307 = vector.shape_cast %get3A_306 : vector<1x16xf32> to vector<16xf32>
      %get3A_308 = arith.index_cast %scan3A_304 : i32 to index
      %get3A_309 = arith.constant 16 : index
      %get3A_310 = tpu.vector_load %arg8[%get3A_308, %get3A_309] {strides = array<i32>} : memref<64x128xf32, #tpu.memory_space<vmem>>, vector<1x16xf32>,
      %get3A_311 = vector.shape_cast %get3A_310 : vector<1x16xf32> to vector<16xf32>
      %get3A_312 = arith.index_cast %scan3A_304 : i32 to index
      %get3A_313 = arith.constant 32 : index
      %get3A_314 = tpu.vector_load %arg8[%get3A_312, %get3A_313] {strides = array<i32>} : memref<64x128xf32, #tpu.memory_space<vmem>>, vector<1x16xf32>,
      %get3A_315 = vector.shape_cast %get3A_314 : vector<1x16xf32> to vector<16xf32>
      %get3A_316 = arith.index_cast %scan3A_304 : i32 to index
      %get3A_317 = arith.constant 48 : index
      %get3A_318 = tpu.vector_load %arg8[%get3A_316, %get3A_317] {strides = array<i32>} : memref<64x128xf32, #tpu.memory_space<vmem>>, vector<1x16xf32>,
      %get3A_319 = vector.shape_cast %get3A_318 : vector<1x16xf32> to vector<16xf32>
      %get3A_320 = arith.index_cast %scan3A_304 : i32 to index
      %get3A_321 = arith.constant 64 : index
      %get3A_322 = tpu.vector_load %arg8[%get3A_320, %get3A_321] {strides = array<i32>} : memref<64x128xf32, #tpu.memory_space<vmem>>, vector<1x16xf32>,
      %get3A_323 = vector.shape_cast %get3A_322 : vector<1x16xf32> to vector<16xf32>
      %get3A_324 = arith.index_cast %scan3A_304 : i32 to index
      %get3A_325 = arith.constant 80 : index
      %get3A_326 = tpu.vector_load %arg8[%get3A_324, %get3A_325] {strides = array<i32>} : memref<64x128xf32, #tpu.memory_space<vmem>>, vector<1x16xf32>,
      %get3A_327 = vector.shape_cast %get3A_326 : vector<1x16xf32> to vector<16xf32>
      %get3A_328 = arith.index_cast %scan3A_304 : i32 to index
      %get3A_329 = arith.constant 96 : index
      %get3A_330 = tpu.vector_load %arg8[%get3A_328, %get3A_329] {strides = array<i32>} : memref<64x128xf32, #tpu.memory_space<vmem>>, vector<1x16xf32>,
      %get3A_331 = vector.shape_cast %get3A_330 : vector<1x16xf32> to vector<16xf32>
      %get3A_332 = arith.index_cast %scan3A_304 : i32 to index
      %get3A_333 = arith.constant 112 : index
      %get3A_334 = tpu.vector_load %arg8[%get3A_332, %get3A_333] {strides = array<i32>} : memref<64x128xf32, #tpu.memory_space<vmem>>, vector<1x16xf32>,
      %get3A_335 = vector.shape_cast %get3A_334 : vector<1x16xf32> to vector<16xf32>
      %add3A_336 = arith.constant 128 : i32
      %add3A_337 = arith.addi %add3A_336, %scan3A_304 : i32
      %swap3A = arith.index_cast %add3A_337 : i32 to index
      %swap3A_338 = arith.constant 0 : index
      %swap3A_339 = tpu.vector_load %arg7[%swap3A, %swap3A_338] {strides = array<i32>} : memref<256x128xf32, #tpu.memory_space<vmem>>, vector<1x16xf32>,
      %swap3A_340 = vector.shape_cast %swap3A_339 : vector<1x16xf32> to vector<16xf32>
      %swap3A_341 = vector.shape_cast %get3A_307 : vector<16xf32> to vector<1x16xf32>
      tpu.vector_store %arg7[%swap3A, %swap3A_338], %swap3A_341 {add = true, strides = array<i32>} : memref<256x128xf32, #tpu.memory_space<vmem>>, vector<1x16xf32>,
      %add3A_342 = arith.constant 128 : i32
      %add3A_343 = arith.addi %add3A_342, %scan3A_304 : i32
      %swap3A_344 = arith.index_cast %add3A_343 : i32 to index
      %swap3A_345 = arith.constant 16 : index
      %swap3A_346 = tpu.vector_load %arg7[%swap3A_344, %swap3A_345] {strides = array<i32>} : memref<256x128xf32, #tpu.memory_space<vmem>>, vector<1x16xf32>,
      %swap3A_347 = vector.shape_cast %swap3A_346 : vector<1x16xf32> to vector<16xf32>
      %swap3A_348 = vector.shape_cast %get3A_311 : vector<16xf32> to vector<1x16xf32>
      tpu.vector_store %arg7[%swap3A_344, %swap3A_345], %swap3A_348 {add = true, strides = array<i32>} : memref<256x128xf32, #tpu.memory_space<vmem>>, vector<1x16xf32>,
      %add3A_349 = arith.constant 128 : i32
      %add3A_350 = arith.addi %add3A_349, %scan3A_304 : i32
      %swap3A_351 = arith.index_cast %add3A_350 : i32 to index
      %swap3A_352 = arith.constant 32 : index
      %swap3A_353 = tpu.vector_load %arg7[%swap3A_351, %swap3A_352] {strides = array<i32>} : memref<256x128xf32, #tpu.memory_space<vmem>>, vector<1x16xf32>,
      %swap3A_354 = vector.shape_cast %swap3A_353 : vector<1x16xf32> to vector<16xf32>
      %swap3A_355 = vector.shape_cast %get3A_315 : vector<16xf32> to vector<1x16xf32>
      tpu.vector_store %arg7[%swap3A_351, %swap3A_352], %swap3A_355 {add = true, strides = array<i32>} : memref<256x128xf32, #tpu.memory_space<vmem>>, vector<1x16xf32>,
      %add3A_356 = arith.constant 128 : i32
      %add3A_357 = arith.addi %add3A_356, %scan3A_304 : i32
      %swap3A_358 = arith.index_cast %add3A_357 : i32 to index
      %swap3A_359 = arith.constant 48 : index
      %swap3A_360 = tpu.vector_load %arg7[%swap3A_358, %swap3A_359] {strides = array<i32>} : memref<256x128xf32, #tpu.memory_space<vmem>>, vector<1x16xf32>,
      %swap3A_361 = vector.shape_cast %swap3A_360 : vector<1x16xf32> to vector<16xf32>
      %swap3A_362 = vector.shape_cast %get3A_319 : vector<16xf32> to vector<1x16xf32>
      tpu.vector_store %arg7[%swap3A_358, %swap3A_359], %swap3A_362 {add = true, strides = array<i32>} : memref<256x128xf32, #tpu.memory_space<vmem>>, vector<1x16xf32>,
      %add3A_363 = arith.constant 128 : i32
      %add3A_364 = arith.addi %add3A_363, %scan3A_304 : i32
      %swap3A_365 = arith.index_cast %add3A_364 : i32 to index
      %swap3A_366 = arith.constant 64 : index
      %swap3A_367 = tpu.vector_load %arg7[%swap3A_365, %swap3A_366] {strides = array<i32>} : memref<256x128xf32, #tpu.memory_space<vmem>>, vector<1x16xf32>,
      %swap3A_368 = vector.shape_cast %swap3A_367 : vector<1x16xf32> to vector<16xf32>
      %swap3A_369 = vector.shape_cast %get3A_323 : vector<16xf32> to vector<1x16xf32>
      tpu.vector_store %arg7[%swap3A_365, %swap3A_366], %swap3A_369 {add = true, strides = array<i32>} : memref<256x128xf32, #tpu.memory_space<vmem>>, vector<1x16xf32>,
      %add3A_370 = arith.constant 128 : i32
      %add3A_371 = arith.addi %add3A_370, %scan3A_304 : i32
      %swap3A_372 = arith.index_cast %add3A_371 : i32 to index
      %swap3A_373 = arith.constant 80 : index
      %swap3A_374 = tpu.vector_load %arg7[%swap3A_372, %swap3A_373] {strides = array<i32>} : memref<256x128xf32, #tpu.memory_space<vmem>>, vector<1x16xf32>,
      %swap3A_375 = vector.shape_cast %swap3A_374 : vector<1x16xf32> to vector<16xf32>
      %swap3A_376 = vector.shape_cast %get3A_327 : vector<16xf32> to vector<1x16xf32>
      tpu.vector_store %arg7[%swap3A_372, %swap3A_373], %swap3A_376 {add = true, strides = array<i32>} : memref<256x128xf32, #tpu.memory_space<vmem>>, vector<1x16xf32>,
      %add3A_377 = arith.constant 128 : i32
      %add3A_378 = arith.addi %add3A_377, %scan3A_304 : i32
      %swap3A_379 = arith.index_cast %add3A_378 : i32 to index
      %swap3A_380 = arith.constant 96 : index
      %swap3A_381 = tpu.vector_load %arg7[%swap3A_379, %swap3A_380] {strides = array<i32>} : memref<256x128xf32, #tpu.memory_space<vmem>>, vector<1x16xf32>,
      %swap3A_382 = vector.shape_cast %swap3A_381 : vector<1x16xf32> to vector<16xf32>
      %swap3A_383 = vector.shape_cast %get3A_331 : vector<16xf32> to vector<1x16xf32>
      tpu.vector_store %arg7[%swap3A_379, %swap3A_380], %swap3A_383 {add = true, strides = array<i32>} : memref<256x128xf32, #tpu.memory_space<vmem>>, vector<1x16xf32>,
      %add3A_384 = arith.constant 128 : i32
      %add3A_385 = arith.addi %add3A_384, %scan3A_304 : i32
      %swap3A_386 = arith.index_cast %add3A_385 : i32 to index
      %swap3A_387 = arith.constant 112 : index
      %swap3A_388 = tpu.vector_load %arg7[%swap3A_386, %swap3A_387] {strides = array<i32>} : memref<256x128xf32, #tpu.memory_space<vmem>>, vector<1x16xf32>,
      %swap3A_389 = vector.shape_cast %swap3A_388 : vector<1x16xf32> to vector<16xf32>
      %swap3A_390 = vector.shape_cast %get3A_335 : vector<16xf32> to vector<1x16xf32>
      tpu.vector_store %arg7[%swap3A_386, %swap3A_387], %swap3A_390 {add = true, strides = array<i32>} : memref<256x128xf32, #tpu.memory_space<vmem>>, vector<1x16xf32>,
      %add3A_391 = arith.constant 192 : i32
      %add3A_392 = arith.addi %add3A_391, %scan3A_304 : i32
      %swap3A_393 = arith.index_cast %add3A_392 : i32 to index
      %swap3A_394 = arith.constant 0 : index
      %swap3A_395 = tpu.vector_load %arg7[%swap3A_393, %swap3A_394] {strides = array<i32>} : memref<256x128xf32, #tpu.memory_space<vmem>>, vector<1x16xf32>,
      %swap3A_396 = vector.shape_cast %swap3A_395 : vector<1x16xf32> to vector<16xf32>
      %swap3A_397 = vector.shape_cast %get3A_307 : vector<16xf32> to vector<1x16xf32>
      tpu.vector_store %arg7[%swap3A_393, %swap3A_394], %swap3A_397 {add = true, strides = array<i32>} : memref<256x128xf32, #tpu.memory_space<vmem>>, vector<1x16xf32>,
      %add3A_398 = arith.constant 192 : i32
      %add3A_399 = arith.addi %add3A_398, %scan3A_304 : i32
      %swap3A_400 = arith.index_cast %add3A_399 : i32 to index
      %swap3A_401 = arith.constant 16 : index
      %swap3A_402 = tpu.vector_load %arg7[%swap3A_400, %swap3A_401] {strides = array<i32>} : memref<256x128xf32, #tpu.memory_space<vmem>>, vector<1x16xf32>,
      %swap3A_403 = vector.shape_cast %swap3A_402 : vector<1x16xf32> to vector<16xf32>
      %swap3A_404 = vector.shape_cast %get3A_311 : vector<16xf32> to vector<1x16xf32>
      tpu.vector_store %arg7[%swap3A_400, %swap3A_401], %swap3A_404 {add = true, strides = array<i32>} : memref<256x128xf32, #tpu.memory_space<vmem>>, vector<1x16xf32>,
      %add3A_405 = arith.constant 192 : i32
      %add3A_406 = arith.addi %add3A_405, %scan3A_304 : i32
      %swap3A_407 = arith.index_cast %add3A_406 : i32 to index
      %swap3A_408 = arith.constant 32 : index
      %swap3A_409 = tpu.vector_load %arg7[%swap3A_407, %swap3A_408] {strides = array<i32>} : memref<256x128xf32, #tpu.memory_space<vmem>>, vector<1x16xf32>,
      %swap3A_410 = vector.shape_cast %swap3A_409 : vector<1x16xf32> to vector<16xf32>
      %swap3A_411 = vector.shape_cast %get3A_315 : vector<16xf32> to vector<1x16xf32>
      tpu.vector_store %arg7[%swap3A_407, %swap3A_408], %swap3A_411 {add = true, strides = array<i32>} : memref<256x128xf32, #tpu.memory_space<vmem>>, vector<1x16xf32>,
      %add3A_412 = arith.constant 192 : i32
      %add3A_413 = arith.addi %add3A_412, %scan3A_304 : i32
      %swap3A_414 = arith.index_cast %add3A_413 : i32 to index
      %swap3A_415 = arith.constant 48 : index
      %swap3A_416 = tpu.vector_load %arg7[%swap3A_414, %swap3A_415] {strides = array<i32>} : memref<256x128xf32, #tpu.memory_space<vmem>>, vector<1x16xf32>,
      %swap3A_417 = vector.shape_cast %swap3A_416 : vector<1x16xf32> to vector<16xf32>
      %swap3A_418 = vector.shape_cast %get3A_319 : vector<16xf32> to vector<1x16xf32>
      tpu.vector_store %arg7[%swap3A_414, %swap3A_415], %swap3A_418 {add = true, strides = array<i32>} : memref<256x128xf32, #tpu.memory_space<vmem>>, vector<1x16xf32>,
      %add3A_419 = arith.constant 192 : i32
      %add3A_420 = arith.addi %add3A_419, %scan3A_304 : i32
      %swap3A_421 = arith.index_cast %add3A_420 : i32 to index
      %swap3A_422 = arith.constant 64 : index
      %swap3A_423 = tpu.vector_load %arg7[%swap3A_421, %swap3A_422] {strides = array<i32>} : memref<256x128xf32, #tpu.memory_space<vmem>>, vector<1x16xf32>,
      %swap3A_424 = vector.shape_cast %swap3A_423 : vector<1x16xf32> to vector<16xf32>
      %swap3A_425 = vector.shape_cast %get3A_323 : vector<16xf32> to vector<1x16xf32>
      tpu.vector_store %arg7[%swap3A_421, %swap3A_422], %swap3A_425 {add = true, strides = array<i32>} : memref<256x128xf32, #tpu.memory_space<vmem>>, vector<1x16xf32>,
      %add3A_426 = arith.constant 192 : i32
      %add3A_427 = arith.addi %add3A_426, %scan3A_304 : i32
      %swap3A_428 = arith.index_cast %add3A_427 : i32 to index
      %swap3A_429 = arith.constant 80 : index
      %swap3A_430 = tpu.vector_load %arg7[%swap3A_428, %swap3A_429] {strides = array<i32>} : memref<256x128xf32, #tpu.memory_space<vmem>>, vector<1x16xf32>,
      %swap3A_431 = vector.shape_cast %swap3A_430 : vector<1x16xf32> to vector<16xf32>
      %swap3A_432 = vector.shape_cast %get3A_327 : vector<16xf32> to vector<1x16xf32>
      tpu.vector_store %arg7[%swap3A_428, %swap3A_429], %swap3A_432 {add = true, strides = array<i32>} : memref<256x128xf32, #tpu.memory_space<vmem>>, vector<1x16xf32>,
      %add3A_433 = arith.constant 192 : i32
      %add3A_434 = arith.addi %add3A_433, %scan3A_304 : i32
      %swap3A_435 = arith.index_cast %add3A_434 : i32 to index
      %swap3A_436 = arith.constant 96 : index
      %swap3A_437 = tpu.vector_load %arg7[%swap3A_435, %swap3A_436] {strides = array<i32>} : memref<256x128xf32, #tpu.memory_space<vmem>>, vector<1x16xf32>,
      %swap3A_438 = vector.shape_cast %swap3A_437 : vector<1x16xf32> to vector<16xf32>
      %swap3A_439 = vector.shape_cast %get3A_331 : vector<16xf32> to vector<1x16xf32>
      tpu.vector_store %arg7[%swap3A_435, %swap3A_436], %swap3A_439 {add = true, strides = array<i32>} : memref<256x128xf32, #tpu.memory_space<vmem>>, vector<1x16xf32>,
      %add3A_440 = arith.constant 192 : i32
      %add3A_441 = arith.addi %add3A_440, %scan3A_304 : i32
      %swap3A_442 = arith.index_cast %add3A_441 : i32 to index
      %swap3A_443 = arith.constant 112 : index
      %swap3A_444 = tpu.vector_load %arg7[%swap3A_442, %swap3A_443] {strides = array<i32>} : memref<256x128xf32, #tpu.memory_space<vmem>>, vector<1x16xf32>,
      %swap3A_445 = vector.shape_cast %swap3A_444 : vector<1x16xf32> to vector<16xf32>
      %swap3A_446 = vector.shape_cast %get3A_335 : vector<16xf32> to vector<1x16xf32>
      tpu.vector_store %arg7[%swap3A_442, %swap3A_443], %swap3A_446 {add = true, strides = array<i32>} : memref<256x128xf32, #tpu.memory_space<vmem>>, vector<1x16xf32>,
    }
    %scan3A_221 = arith.constant 64 : i32
    %add3A_222 = arith.constant 4096 : i32
    %add3A_223 = arith.addi %add3A_222, %mul3A_2 : i32
    %dma_start3A_224 = arith.constant 2 : i32
    %dma_start3A_225 = arith.constant 128 : i32
    %dma_start3A_226 = arith.constant 0 : i32
    %dma_start3A_227 = tpu.memref_slice %arg7[%dma_start3A_225, %dma_start3A_226] : memref<256x128xf32, #tpu.memory_space<vmem>> -> memref<64x128xf32, #tpu.memory_space<vmem>>
    %dma_start3A_228 = arith.constant 0 : i32
    %dma_start3A_229 = tpu.memref_slice %arg5[%add3A_223, %dma_start3A_228] : memref<8192x128xf32, #tpu.memory_space<hbm>> -> memref<64x128xf32, #tpu.memory_space<hbm>>
    %dma_start3A_230 = tpu.memref_slice %arg10[%dma_start3A_224] : memref<4x!tpu.dma_semaphore, #tpu.memory_space<semaphore_mem>> -> memref<1x!tpu.dma_semaphore, #tpu.memory_space<semaphore_mem>>
    %dma_start3A_231 = tpu.memref_squeeze %dma_start3A_230 : memref<1x!tpu.dma_semaphore, #tpu.memory_space<semaphore_mem>> -> memref<!tpu.dma_semaphore, #tpu.memory_space<semaphore_mem>>
    %dma_start3A_232 = arith.constant 0 : i32
    %dma_start3A_233 = tpu.memref_slice %arg5[%add3A_223, %dma_start3A_232] : memref<8192x128xf32, #tpu.memory_space<hbm>> -> memref<64x128xf32, #tpu.memory_space<hbm>>
    %dma_start3A_234 = arith.constant 128 : i32
    %dma_start3A_235 = arith.constant 0 : i32
    %dma_start3A_236 = tpu.memref_slice %arg7[%dma_start3A_234, %dma_start3A_235] : memref<256x128xf32, #tpu.memory_space<vmem>> -> memref<64x128xf32, #tpu.memory_space<vmem>>
    tpu.enqueue_dma source(%dma_start3A_236 : memref<64x128xf32, #tpu.memory_space<vmem>>) target(%dma_start3A_233 : memref<64x128xf32, #tpu.memory_space<hbm>>) target_semaphore(%dma_start3A_231 : memref<!tpu.dma_semaphore, #tpu.memory_space<semaphore_mem>>)
    %add3A_237 = arith.constant 6144 : i32
    %add3A_238 = arith.addi %add3A_237, %mul3A_2 : i32
    %dma_start3A_239 = arith.constant 3 : i32
    %dma_start3A_240 = arith.constant 192 : i32
    %dma_start3A_241 = arith.constant 0 : i32
    %dma_start3A_242 = tpu.memref_slice %arg7[%dma_start3A_240, %dma_start3A_241] : memref<256x128xf32, #tpu.memory_space<vmem>> -> memref<64x128xf32, #tpu.memory_space<vmem>>
    %dma_start3A_243 = arith.constant 0 : i32
    %dma_start3A_244 = tpu.memref_slice %arg5[%add3A_238, %dma_start3A_243] : memref<8192x128xf32, #tpu.memory_space<hbm>> -> memref<64x128xf32, #tpu.memory_space<hbm>>
    %dma_start3A_245 = tpu.memref_slice %arg10[%dma_start3A_239] : memref<4x!tpu.dma_semaphore, #tpu.memory_space<semaphore_mem>> -> memref<1x!tpu.dma_semaphore, #tpu.memory_space<semaphore_mem>>
    %dma_start3A_246 = tpu.memref_squeeze %dma_start3A_245 : memref<1x!tpu.dma_semaphore, #tpu.memory_space<semaphore_mem>> -> memref<!tpu.dma_semaphore, #tpu.memory_space<semaphore_mem>>
    %dma_start3A_247 = arith.constant 0 : i32
    %dma_start3A_248 = tpu.memref_slice %arg5[%add3A_238, %dma_start3A_247] : memref<8192x128xf32, #tpu.memory_space<hbm>> -> memref<64x128xf32, #tpu.memory_space<hbm>>
    %dma_start3A_249 = arith.constant 192 : i32
    %dma_start3A_250 = arith.constant 0 : i32
    %dma_start3A_251 = tpu.memref_slice %arg7[%dma_start3A_249, %dma_start3A_250] : memref<256x128xf32, #tpu.memory_space<vmem>> -> memref<64x128xf32, #tpu.memory_space<vmem>>
    tpu.enqueue_dma source(%dma_start3A_251 : memref<64x128xf32, #tpu.memory_space<vmem>>) target(%dma_start3A_248 : memref<64x128xf32, #tpu.memory_space<hbm>>) target_semaphore(%dma_start3A_246 : memref<!tpu.dma_semaphore, #tpu.memory_space<semaphore_mem>>)
    %dma_wait3A_252 = arith.constant 0 : i32
    %dma_wait3A_253 = arith.constant 0 : i32
    %dma_wait3A_254 = arith.constant 0 : i32
    %dma_wait3A_255 = tpu.memref_slice %arg7[%dma_wait3A_253, %dma_wait3A_254] : memref<256x128xf32, #tpu.memory_space<vmem>> -> memref<64x128xf32, #tpu.memory_space<vmem>>
    %dma_wait3A_256 = arith.constant 0 : i32
    %dma_wait3A_257 = tpu.memref_slice %arg5[%add3A_174, %dma_wait3A_256] : memref<8192x128xf32, #tpu.memory_space<hbm>> -> memref<64x128xf32, #tpu.memory_space<hbm>>
    %dma_wait3A_258 = tpu.memref_slice %arg10[%dma_wait3A_252] : memref<4x!tpu.dma_semaphore, #tpu.memory_space<semaphore_mem>> -> memref<1x!tpu.dma_semaphore, #tpu.memory_space<semaphore_mem>>
    %dma_wait3A_259 = tpu.memref_squeeze %dma_wait3A_258 : memref<1x!tpu.dma_semaphore, #tpu.memory_space<semaphore_mem>> -> memref<!tpu.dma_semaphore, #tpu.memory_space<semaphore_mem>>
    %dma_wait3A_260 = arith.constant 0 : i32
    %dma_wait3A_261 = tpu.memref_slice %arg5[%add3A_174, %dma_wait3A_260] : memref<8192x128xf32, #tpu.memory_space<hbm>> -> memref<64x128xf32, #tpu.memory_space<hbm>>
    %dma_wait3A_262 = arith.constant 0 : i32
    %dma_wait3A_263 = arith.constant 0 : i32
    %dma_wait3A_264 = tpu.memref_slice %arg7[%dma_wait3A_262, %dma_wait3A_263] : memref<256x128xf32, #tpu.memory_space<vmem>> -> memref<64x128xf32, #tpu.memory_space<vmem>>
    tpu.wait_dma2 semaphore(%dma_wait3A_259 : memref<!tpu.dma_semaphore, #tpu.memory_space<semaphore_mem>>) src(%dma_wait3A_264 : memref<64x128xf32, #tpu.memory_space<vmem>>) dst(%dma_wait3A_261 : memref<64x128xf32, #tpu.memory_space<hbm>>)
    %dma_wait3A_265 = arith.constant 1 : i32
    %dma_wait3A_266 = arith.constant 64 : i32
    %dma_wait3A_267 = arith.constant 0 : i32
    %dma_wait3A_268 = tpu.memref_slice %arg7[%dma_wait3A_266, %dma_wait3A_267] : memref<256x128xf32, #tpu.memory_space<vmem>> -> memref<64x128xf32, #tpu.memory_space<vmem>>
    %dma_wait3A_269 = arith.constant 0 : i32
    %dma_wait3A_270 = tpu.memref_slice %arg5[%add3A_189, %dma_wait3A_269] : memref<8192x128xf32, #tpu.memory_space<hbm>> -> memref<64x128xf32, #tpu.memory_space<hbm>>
    %dma_wait3A_271 = tpu.memref_slice %arg10[%dma_wait3A_265] : memref<4x!tpu.dma_semaphore, #tpu.memory_space<semaphore_mem>> -> memref<1x!tpu.dma_semaphore, #tpu.memory_space<semaphore_mem>>
    %dma_wait3A_272 = tpu.memref_squeeze %dma_wait3A_271 : memref<1x!tpu.dma_semaphore, #tpu.memory_space<semaphore_mem>> -> memref<!tpu.dma_semaphore, #tpu.memory_space<semaphore_mem>>
    %dma_wait3A_273 = arith.constant 0 : i32
    %dma_wait3A_274 = tpu.memref_slice %arg5[%add3A_189, %dma_wait3A_273] : memref<8192x128xf32, #tpu.memory_space<hbm>> -> memref<64x128xf32, #tpu.memory_space<hbm>>
    %dma_wait3A_275 = arith.constant 64 : i32
    %dma_wait3A_276 = arith.constant 0 : i32
    %dma_wait3A_277 = tpu.memref_slice %arg7[%dma_wait3A_275, %dma_wait3A_276] : memref<256x128xf32, #tpu.memory_space<vmem>> -> memref<64x128xf32, #tpu.memory_space<vmem>>
    tpu.wait_dma2 semaphore(%dma_wait3A_272 : memref<!tpu.dma_semaphore, #tpu.memory_space<semaphore_mem>>) src(%dma_wait3A_277 : memref<64x128xf32, #tpu.memory_space<vmem>>) dst(%dma_wait3A_274 : memref<64x128xf32, #tpu.memory_space<hbm>>)
    %dma_wait3A_278 = arith.constant 2 : i32
    %dma_wait3A_279 = arith.constant 128 : i32
    %dma_wait3A_280 = arith.constant 0 : i32
    %dma_wait3A_281 = tpu.memref_slice %arg7[%dma_wait3A_279, %dma_wait3A_280] : memref<256x128xf32, #tpu.memory_space<vmem>> -> memref<64x128xf32, #tpu.memory_space<vmem>>
    %dma_wait3A_282 = arith.constant 0 : i32
    %dma_wait3A_283 = tpu.memref_slice %arg5[%add3A_223, %dma_wait3A_282] : memref<8192x128xf32, #tpu.memory_space<hbm>> -> memref<64x128xf32, #tpu.memory_space<hbm>>
    %dma_wait3A_284 = tpu.memref_slice %arg10[%dma_wait3A_278] : memref<4x!tpu.dma_semaphore, #tpu.memory_space<semaphore_mem>> -> memref<1x!tpu.dma_semaphore, #tpu.memory_space<semaphore_mem>>
    %dma_wait3A_285 = tpu.memref_squeeze %dma_wait3A_284 : memref<1x!tpu.dma_semaphore, #tpu.memory_space<semaphore_mem>> -> memref<!tpu.dma_semaphore, #tpu.memory_space<semaphore_mem>>
    %dma_wait3A_286 = arith.constant 0 : i32
    %dma_wait3A_287 = tpu.memref_slice %arg5[%add3A_223, %dma_wait3A_286] : memref<8192x128xf32, #tpu.memory_space<hbm>> -> memref<64x128xf32, #tpu.memory_space<hbm>>
    %dma_wait3A_288 = arith.constant 128 : i32
    %dma_wait3A_289 = arith.constant 0 : i32
    %dma_wait3A_290 = tpu.memref_slice %arg7[%dma_wait3A_288, %dma_wait3A_289] : memref<256x128xf32, #tpu.memory_space<vmem>> -> memref<64x128xf32, #tpu.memory_space<vmem>>
    tpu.wait_dma2 semaphore(%dma_wait3A_285 : memref<!tpu.dma_semaphore, #tpu.memory_space<semaphore_mem>>) src(%dma_wait3A_290 : memref<64x128xf32, #tpu.memory_space<vmem>>) dst(%dma_wait3A_287 : memref<64x128xf32, #tpu.memory_space<hbm>>)
    %dma_wait3A_291 = arith.constant 3 : i32
    %dma_wait3A_292 = arith.constant 192 : i32
    %dma_wait3A_293 = arith.constant 0 : i32
    %dma_wait3A_294 = tpu.memref_slice %arg7[%dma_wait3A_292, %dma_wait3A_293] : memref<256x128xf32, #tpu.memory_space<vmem>> -> memref<64x128xf32, #tpu.memory_space<vmem>>
    %dma_wait3A_295 = arith.constant 0 : i32
    %dma_wait3A_296 = tpu.memref_slice %arg5[%add3A_238, %dma_wait3A_295] : memref<8192x128xf32, #tpu.memory_space<hbm>> -> memref<64x128xf32, #tpu.memory_space<hbm>>
    %dma_wait3A_297 = tpu.memref_slice %arg10[%dma_wait3A_291] : memref<4x!tpu.dma_semaphore, #tpu.memory_space<semaphore_mem>> -> memref<1x!tpu.dma_semaphore, #tpu.memory_space<semaphore_mem>>
    %dma_wait3A_298 = tpu.memref_squeeze %dma_wait3A_297 : memref<1x!tpu.dma_semaphore, #tpu.memory_space<semaphore_mem>> -> memref<!tpu.dma_semaphore, #tpu.memory_space<semaphore_mem>>
    %dma_wait3A_299 = arith.constant 0 : i32
    %dma_wait3A_300 = tpu.memref_slice %arg5[%add3A_238, %dma_wait3A_299] : memref<8192x128xf32, #tpu.memory_space<hbm>> -> memref<64x128xf32, #tpu.memory_space<hbm>>
    %dma_wait3A_301 = arith.constant 192 : i32
    %dma_wait3A_302 = arith.constant 0 : i32
    %dma_wait3A_303 = tpu.memref_slice %arg7[%dma_wait3A_301, %dma_wait3A_302] : memref<256x128xf32, #tpu.memory_space<vmem>> -> memref<64x128xf32, #tpu.memory_space<vmem>>
    tpu.wait_dma2 semaphore(%dma_wait3A_298 : memref<!tpu.dma_semaphore, #tpu.memory_space<semaphore_mem>>) src(%dma_wait3A_303 : memref<64x128xf32, #tpu.memory_space<vmem>>) dst(%dma_wait3A_300 : memref<64x128xf32, #tpu.memory_space<hbm>>)
    return
  }
}

</mosaic_0001>

<sc_bundles>
// kernel: kernel.3.cloned.1.call-start
scs
__scs_entry_jumppad:
0x0: {  	(pc) =	sbr.rel $0x88, $3  }
0x1: {  	(tag) =	ssettag $0x0;
	lr =	simm.s32 $0x1  }
0x2: {  	[smem:$0x3F9E] =	sst lr;
	_ =	strace $0xD0000000  }
0x3: {  	_ = 	snop  }
0x4: {  	_ = 	snop  }
0x5: {  	_ = 	snop  }
0x6: {  	_ = 	snop  }
0x7: {  	_ = 	snop  }
__scs_overlays_trampoline_lowered:
0x8: {  	[smem:$0x3FAD] =	sst s0  }
0x9: {  	[smem:$0x3FAE] =	sst s1  }
0xa: {  	[smem:$0x3FAF] =	sst s2  }
0xb: {  	[smem:$0x3FB0] =	sst s3  }
0xc: {  	[smem:$0x3FB1] =	sst s4  }
0xd: {  	[smem:$0x3FB2] =	sst s5  }
0xe: {  	[smem:$0x3FB3] =	sst s6  }
0xf: {  	[smem:$0x3FB4] =	sst s7  }
0x10: {  	[smem:$0x3FB5] =	sst s8  }
0x11: {  	[smem:$0x3FB6] =	sst s9;
	s0 =	simm.s32 @!p0 $0x0  }
0x12: {  	s1 =	sld [smem:$0x3F9C];
	s0 =	simm.s32 @p0 $0x1  }
0x13: {  	[smem:$0x3FB7] =	sst s0;
	s0 =	simm.s32 @!p1 $0x0  }
0x14: {  	s2 =	sld [smem:$0x3F9B];
	s0 =	simm.s32 @p1 $0x1  }
0x15: {  	[smem:$0x3FB8] =	sst s0;
	s0 =	simm.s32 @!p2 $0x0  }
0x16: {  	s3 =	sld [smem:$0x3FDB];
	s0 =	simm.s32 @p2 $0x1  }
0x17: {  	s4 =	simm.s32 $0x1BF5;
	[smem:$0x3FBA] =	sst s0  }
0x18: {  	s0 =	sld [smem:$0x3F9D];
	_ =	swait.ge [sflag:s4], $0x0  }
0x19: {  	s7 =	sld [smem:$0x3F9E]  }
0x1a: {  	s8 =	sadd.s32 $0xFFFFE003, lr  }
0x1b: {  	s9 =	sadd.s32 $0xFFFFFEF7, lr;
	s5 =	simm.s32 $0xFFFFFFFF;
	p2 =	slt.u32 s8, $0xFFFFF086  }
0x1c: {  	p1 =	slt.u32 s9, $0xF7A;
	s5 =	simm.s32 @!p2 $0x0  }
0x1d: {  	s5 =	simm.s32 @p1 $0x1;
	p0 =	seq.s32 s7, s2  }
0x1e: {  	s7 =	smul.u32 @!p0 $0xF7A, s2;
	p2 =	seq.s32 @!p0 s5, $0x0  }
0x1f: {  	s9 =	smul.u32 $0xF7A, s1;
	s8 =	simm.s32 @!p0 $0x1BF5;
	p2 =	por !p2, p0  }
0x20: {  	[sflag:s8] =	ssyncset.s32 @!p0 $0xFFFFF086;
	s6 =	sadd.s32 @!p0 s3, s7;
	s7 =	simm.s32 @!p0 $0x108  }
0x21: {  	s3 =	sadd.s32 s3, s9;
	s6 =	sadd.s32 @!p0 $0x88, s6;
	s7 =	simm.s32 @p2 $0x1082  }
0x22: {  	[simem:s7], [sflag:s8] =	dma.local @!p0 [hbm:s6], $0xF7A  }
0x23: {  	s9 =	sor.u32 $0xD0000000, s2;
	s6 =	simm.s32 $0x108;
	_ =	swait.ge @!p0 [sflag:s8], $0x0  }
0x24: {  	s3 =	sadd.s32 $0x88, s3;
	s6 =	simm.s32 @!p1 $0x1082;
	[sflag:s4] =	ssyncset.s32 $0xFFFFF086  }
0x25: {  	[simem:s6], [sflag:s4] =	dma.local [hbm:s3], $0xF7A  }
0x26: {  	[smem:$0x3F9E] =	sst s1;
	(tag) =	ssettag s2;
	_ =	strace s9  }
0x27: {  	s1 =	sld [smem:$0x3FAE]  }
0x28: {  	s2 =	sld [smem:$0x3FAF]  }
0x29: {  	s4 =	sld [smem:$0x3FB1]  }
0x2a: {  	p0 =	seq.s32 s5, $0x0;
	s5 =	sld [smem:$0x3FB2]  }
0x2b: {  	s6 =	sld [smem:$0x3FB3]  }
0x2c: {  	s7 =	sld [smem:$0x3FB4]  }
0x2d: {  	s3 =	simm.s32 $0x108;
	s8 =	sld [smem:$0x3FB5]  }
0x2e: {  	s3 =	simm.s32 @!p0 $0x1082;
	s9 =	sld [smem:$0x3FB6]  }
0x2f: {  	lr =	sadd.s32 s0, s3;
	s0 =	sld [smem:$0x3FAD]  }
0x30: {  	s3 =	sld [smem:$0x3FB0]  }
0x31: {  	[smem:$0x3FB9] =	sst s10  }
0x32: {  	s10 =	sld [smem:$0x3FB7];
	_ =	sdelay $0x3  }
0x33: {  	p0 =	seq.s32 s10, $0x1;
	s10 =	sld [smem:$0x3FB9];
	_ =	sdelay $0x3  }
0x34: {  	[smem:$0x3FB9] =	sst s10  }
0x35: {  	s10 =	sld [smem:$0x3FB8];
	_ =	sdelay $0x3  }
0x36: {  	p1 =	seq.s32 s10, $0x1;
	s10 =	sld [smem:$0x3FB9];
	_ =	sdelay $0x3  }
0x37: {  	[smem:$0x3FB9] =	sst s10  }
0x38: {  	s10 =	sld [smem:$0x3FBA]  }
0x39: {  	_ = 	snop;
	(pc) =	sbr.ind lr, $3  }
0x3a: {  	_ = 	snop  }
0x3b: {  	_ = 	snop  }
0x3c: {  	p2 =	seq.s32 s10, $0x1;
	s10 =	sld [smem:$0x3FB9]  }
0x3d: {  	_ =	shalt  }
0x3e: {  	_ =	shalt  }
0x3f: {  	_ =	shalt  }
0x40: {  	_ =	shalt  }
0x41: {  	_ =	shalt  }
0x42: {  	_ =	shalt  }
0x43: {  	_ =	shalt  }
0x44: {  	_ =	shalt  }
0x45: {  	_ =	shalt  }
0x46: {  	_ =	shalt  }
0x47: {  	_ =	shalt  }
0x48: {  	_ =	shalt  }
0x49: {  	_ =	shalt  }
0x4a: {  	_ =	shalt  }
0x4b: {  	_ =	shalt  }
0x4c: {  	_ =	shalt  }
0x4d: {  	_ =	shalt  }
0x4e: {  	_ =	shalt  }
0x4f: {  	_ =	shalt  }
0x50: {  	_ =	shalt  }
0x51: {  	_ =	shalt  }
0x52: {  	_ =	shalt  }
0x53: {  	_ =	shalt  }
0x54: {  	_ =	shalt  }
0x55: {  	_ =	shalt  }
0x56: {  	_ =	shalt  }
0x57: {  	_ =	shalt  }
0x58: {  	_ =	shalt  }
0x59: {  	_ =	shalt  }
0x5a: {  	_ =	shalt  }
0x5b: {  	_ =	shalt  }
0x5c: {  	_ =	shalt  }
0x5d: {  	_ =	shalt  }
0x5e: {  	_ =	shalt  }
0x5f: {  	_ =	shalt  }
0x60: {  	_ =	shalt  }
0x61: {  	_ =	shalt  }
0x62: {  	_ =	shalt  }
0x63: {  	_ =	shalt  }
0x64: {  	_ =	shalt  }
0x65: {  	_ =	shalt  }
0x66: {  	_ =	shalt  }
0x67: {  	_ =	shalt  }
0x68: {  	_ =	shalt  }
0x69: {  	_ =	shalt  }
0x6a: {  	_ =	shalt  }
0x6b: {  	_ =	shalt  }
0x6c: {  	_ =	shalt  }
0x6d: {  	_ =	shalt  }
0x6e: {  	_ =	shalt  }
0x6f: {  	_ =	shalt  }
0x70: {  	_ =	shalt  }
0x71: {  	_ =	shalt  }
0x72: {  	_ =	shalt  }
0x73: {  	_ =	shalt  }
0x74: {  	_ =	shalt  }
0x75: {  	_ =	shalt  }
0x76: {  	_ =	shalt  }
0x77: {  	_ =	shalt  }
0x78: {  	_ =	shalt  }
0x79: {  	_ =	shalt  }
0x7a: {  	_ =	shalt  }
0x7b: {  	_ =	shalt  }
0x7c: {  	_ =	shalt  }
0x7d: {  	_ =	shalt  }
0x7e: {  	_ =	shalt  }
0x7f: {  	_ =	shalt  }
0x80: {  	_ =	shalt  }
0x81: {  	_ =	shalt  }
0x82: {  	_ =	shalt  }
0x83: {  	_ =	shalt  }
0x84: {  	_ =	shalt  }
0x85: {  	_ =	shalt  }
0x86: {  	_ =	shalt  }
0x87: {  	_ =	shalt  }
.Lfunc_end0:
.L_simem_size_0:
called_computation_lowered:
.L_overlay_start_0:
0x88: {  	s2 =	sld [smem:$0x3FD9]  }
0x89: {  	s3 =	sld [smem:$0x3FFE];
	_ =	sdelay $0x1  }
0x8a: {  	s1 =	srdreg.scid  }
0x8b: {  	s0 =	sand.u32 $0x1, s1  }
0x8c: {  	s18 =	sshll.u32 s0, $0xA;
	s2 =	sadd.s32 s3, s2  }
0x8d: {  	s2 =	sadd.s32 s2, s18  }
0x8e: {  	[smem:$0x3FC5] =	sst s2  }
0x8f: {  	_ = 	snop  }
0x90: {  	s2 =	sld [smem:$0x3FC9]  }
0x91: {  	s19 =	sld [smem:$0x3FC8]  }
0x92: {  	s4 =	sld [smem:$0x3FC7]  }
0x93: {  	s5 =	sld [smem:$0x3FD0];
	(tm) =	ssettm $0x1  }
0x94: {  	s6 =	sld [smem:$0x3FFB];
	_ =	sdelay $0x3  }
0x95: {  	_ =	strace s6  }
0x96: {  	s6 =	sld [smem:$0x3FFC];
	_ =	sdelay $0x3  }
0x97: {  	_ =	strace s6  }
0x98: {  	s6 =	sld [smem:$0x3FFD];
	_ =	sdelay $0x3  }
0x99: {  	_ =	strace s6  }
0x9a: {  	_ =	strace $0x8FFFFFFF  }
0x9b: {  	s20 =	sld [smem:$0x3FDB];
	_ =	sdelay $0x1  }
0x9c: {  	s7 =	simm.s32 $_scs_section_size  }
0x9d: {  	s8 =	simm.s32 $_size__tile_overlayer_lowered;
	s9 =	simm.s32 $_tile_overlayer_lowered  }
0x9e: {  	s23 =	simm.s32 $0x1BFF;
	s22 =	sshll.u32 s9, $0x1;
	s6 =	sadd.s32 s7, s20  }
0x9f: {  	s10 =	simm.s32 $0x0;
	s21 =	sshll.u32 s8, $0x1;
	s8 =	sadd.s32 s22, s6  }
0xa0: {  	[timem:s10], [sflag:s23] =	dma.local [hbm:s8], s21  }
0xa1: {  	_ =	swait.ge [sflag:s23], s21  }
0xa2: {  	s7 =	ssub.s32 $0x0, s21;
	[sflag:s23] =	ssyncset.done $0x0  }
0xa3: {  	[sflag:s23] =	ssyncadd.s32 s7;
	_ =	sdelay $0x1  }
0xa4: {  	s24 =	simm.s32 $0x1B8B  }
0xa5: {  	_ =	swait.ge [sflag:s24], $0x1  }
0xa6: {  	[sflag:s24] =	ssyncset.done $0x0  }
0xa7: {  	s25 =	simm.s32 $0x1B8E;
	[sflag:s24] =	ssyncadd.s32 $0xFFFFFFFF  }
0xa8: {  	s26 =	simm.s32 $execute0_lowered;
	[smem:$0x3FD2] =	sst s25  }
0xa9: {  	s7 =	sshll.u32 s26, $0x1;
	_ =	strace $0x80000046;
	[dreg:$0x1] =	wrdreg $0xFFFFFFFF  }
0xaa: {  	s28 =	simm.s32 $_size_execute0_lowered;
	s6 =	sadd.s32 s6, s7;
	[dreg:$0x0] =	wrdreg $0x0  }
0xab: {  	s7 =	sshll.u32 s28, $0x1;
	[dreg:$0x2] =	wrdreg s6  }
0xac: {  	[dreg:$0x3] =	wrdreg s7  }
0xad: {  	[dreg:$0x4] =	wrdreg $0xC0  }
0xae: {  	_ =	task [dreg:s10], $0x5FFFF  }
0xaf: {  	[dreg:$0x1] =	wrdreg $0xFFFFFFFF  }
0xb0: {  	[dreg:$0x0] =	wrdreg $0x60  }
0xb1: {  	[dreg:$0x2] =	wrdreg s2  }
0xb2: {  	[dreg:$0x3] =	wrdreg s19  }
0xb3: {  	[dreg:$0x4] =	wrdreg s4  }
0xb4: {  	[dreg:$0x5] =	wrdreg s5  }
0xb5: {  	[dreg:$0x6] =	wrdreg $0x9  }
0xb6: {  	_ =	task.clear_ibuf [dreg:s10], $0x7FFFF;
	_ =	strace $0x90000046  }
0xb7: {  	s29 =	simm.s32 $0x9;
	_ =	strace $0x80000048  }
0xb8: {  	_ =	swait.ge [sflag:s29], $0x1  }
0xb9: {  	[sflag:s29] =	ssyncadd.s32 $0xFFFFFFFF  }
0xba: {  	_ =	strace $0x90000048  }
0xbb: {  	_ =	sfence  }
0xbc: {  	s30 =	sld [smem:$0x0];
	_ =	sdelay $0x2  }
0xbd: {  	s31 =	sshll.u32 s1, $0xD;
	s1 =	sshrl.u32 s1, $0x2  }
0xbe: {  	s3 =	sand.u32 $0x4000, s31;
	s1 =	sadd.s32 s1, s30  }
0xbf: {  	s0 =	sor.u32 s3, s0;
	s1 =	sshll.u32 s1, $0x11  }
0xc0: {  	s0 =	sor.u32 s1, s0  }
0xc1: {  	s0 =	sadd.s32 $0x8F2B, s0  }
0xc2: {  	[sflag:s0] =	ssyncadd.remote.s32 $0x1  }
0xc3: {  	_ =	sfence.sel $0xFFFF  }
0xc4: {  	[dreg:$0x0] =	wrdreg $0xFFFFFFFF;
	(pc) =	sbr.abs _section_cstart, $3  }
0xc5: {  	[dreg:$0x1] =	wrdreg $0xFFFFFFFF  }
0xc6: {  	_ =	task.clear_ibuf [dreg:s10], $0x2FFFF;
	_ =	strace $0x9FFFFFFF  }
0xc7: {  	(tm) =	ssettm $0x7FFFFFFF  }
tec
execute0_lowered:
.L_overlay_start_1:
0x0: {  	(tag) =	ssettag $0x1  }
0x1: {  	s0 =	rddreg [dreg:$0x0]  }
0x2: {  	s1 =	rddreg [dreg:$0x1]  }
0x3: {  	s2 =	srdreg.scid;
	s4 =	rddreg [dreg:$0x2]  }
0x4: {  	s3 =	stileid.u32;
	s9 =	rddreg [dreg:$0x3];
	s16 =	simm.s32 $0x80  }
0x5: {  	s18 =	simm.s32 $0x7;
	s19 =	simm.s32 $0x8;
	s20 =	simm.s32 $0x100  }
0x6: {  	s21 =	simm.s32 $0x9;
	s22 =	simm.s32 $0xA;
	s28 =	simm.s32 $0x2  }
0x7: {  	s29 =	simm.s32 $0x6100;
	s30 =	simm.s32 $0x3;
	s2 =	sand.u32 $0x1, s2  }
0x8: {  	s31 =	simm.s32 $0x4;
	s3 =	sshll.u32 s3, $0x7;
	s5 =	sshll.u32 s2, $0x6  }
0x9: {  	s14 =	simm.s32 $0x0;
	s2 =	ssub.s32 $0x2, s2;
	s6 =	sor.u32 s5, s3  }
0xa: {  	s3 =	simm.s32 $0x0;
	s8 =	sshrl.u32 s2, $0x1;
	s7 =	sshll.u32 s6, $0x2  }
0xb: {  	[smem:$0x7FF] =	sst s3;
	s2 =	ssub.s32 s2, s8;
	s24 =	sshll.u32 s6, $0x4  }
0xc: {  	s10 =	sand.u32 $0x1E00, s7;
	_ =	strace $0x80000047;
	s7 =	sor.u32 s5, s7  }
0xd: {  	s4 =	sadd.s32 s4, s24;
	s9 =	sadd.s32 s9, s24;
	s13 =	smax.u32 s2, $0x1  }
0xe: {  	s24 =	simm.s32 $0xB;
	s2 =	simm.s32 $0x5;
	s23 =	sor.u32 s5, s10  }
0xf: {  	s7 =	sshrl.u32 s7, $0x3;
	s10 =	sadd.s32 $0x8000, s9;
	s12 =	sadd.s32 $0x18000, s9  }
0x10: {  	s25 =	sshrl.u32 s23, $0x3;
	s26 =	sor.u32 $0x20, s7;
	s11 =	sor.u32 $0x30, s7  }
0x11: {  	s23 =	simm.s32 $0x4100;
	s5 =	sadd.s32 s0, s25;
	s7 =	sadd.s32 s0, s26  }
0x12: {  	s8 =	sadd.s32 s0, s11;
	s11 =	sadd.s32 $0x10000, s9;
	s25 =	simm.s32 $0x1  }
0x13: {  	s26 =	simm.s32 $0x2100;
	s0 =	simm.s32 $0x6;
	s6 =	sadd.s32 $0x10, s5  }
.LBB2_1:
0x14: {  	s15 =	simm.s32 $0x8100  }
0x15: {  	[tilespmem:s15], [sflag:$0xB] =	stream.linear.gather [hbm4b:s4+s3], $0x2000, $0x38;
	[tilespmem:$0xA100] =	vst v63  }
0x16: {  	_ = 	snop  }
0x17: {  	[tilespmem:s3], [sflag:$0x7] =	stream.linear.gather [hbm4b:s5+s3], $0x40, $0x38;
	[tilespmem:$0xA100] =	vst v63  }
0x18: {  	s17 =	simm.s32 $0x40  }
0x19: {  	[tilespmem:s17], [sflag:$0x8] =	stream.linear.gather [hbm4b:s6+s3], $0x40, $0x38;
	[tilespmem:$0xA100] =	vst v63  }
0x1a: {  	_ = 	snop  }
0x1b: {  	[tilespmem:s16], [sflag:$0x9] =	stream.linear.gather [hbm4b:s7+s3], $0x40, $0x38;
	[tilespmem:$0xA100] =	vst v63  }
0x1c: {  	s17 =	simm.s32 $0xC0  }
0x1d: {  	[tilespmem:s17], [sflag:$0xA] =	stream.linear.gather [hbm4b:s8+s3], $0x40, $0x38;
	[tilespmem:$0xA100] =	vst v63  }
0x1e: {  	_ =	swait.ge [sflag:s18], $0x40  }
0x1f: {  	[sflag:s18] =	ssyncset.done $0x0  }
0x20: {  	[sflag:s18] =	ssyncadd.s32 $0xFFFFFFC0  }
0x21: {  	_ =	swait.ge [sflag:s19], $0x40  }
0x22: {  	[sflag:s19] =	ssyncset.done $0x0  }
0x23: {  	[sflag:s19] =	ssyncadd.s32 $0xFFFFFFC0  }
0x24: {  	[tilespmem:s20], [sflag:$0x1] =	stream.indirect.gather [hbm4b:s1+s16], $0x80, s3, s16, $0xb8;
	[tilespmem:$0xA100] =	vst v63  }
0x25: {  	_ =	swait.ge [sflag:s21], $0x40  }
0x26: {  	[sflag:s21] =	ssyncset.done $0x0  }
0x27: {  	[sflag:s21] =	ssyncadd.s32 $0xFFFFFFC0  }
0x28: {  	_ =	swait.ge [sflag:s22], $0x40  }
0x29: {  	[sflag:s22] =	ssyncset.done $0x0  }
0x2a: {  	[sflag:s22] =	ssyncadd.s32 $0xFFFFFFC0  }
0x2b: {  	[tilespmem:s23], [sflag:$0x2] =	stream.indirect.gather [hbm4b:s1+s16], $0x80, s16, s16, $0xb8;
	[tilespmem:$0xA100] =	vst v63  }
0x2c: {  	_ =	swait.ge [sflag:s24], $0x2000  }
0x2d: {  	[sflag:s24] =	ssyncset.done $0x0  }
0x2e: {  	[sflag:s24] =	ssyncadd.s32 $0xFFFFE000  }
0x2f: {  	_ =	swait.ge [sflag:s25], $0x4000  }
0x30: {  	[sflag:s25] =	ssyncset.done $0x0  }
0x31: {  	s15 =	simm.s32 $0x0;
	s17 =	simm.s32 $0x200;
	[sflag:s25] =	ssyncadd.s32 $0xFFFFC000  }
.LBB2_2:
0x32: {  	p0 =	sne.s32 s17, $0x7E00;
	v0 =	vld [tilespmem:s15+$0x8170]  }
0x33: {  	v1 =	vld [tilespmem:s15+$0x8100]  }
0x34: {  	v2 =	vld [tilespmem:s15+$0x8110]  }
0x35: {  	v3 =	vld [tilespmem:s15+$0x8120]  }
0x36: {  	v4 =	vld [tilespmem:s15+$0x8130]  }
0x37: {  	[tilespmem:s15+$0x2170] =	vst.add.f32.msk $0xffff, v0  }
0x38: {  	v5 =	vld [tilespmem:s15+$0x8140]  }
0x39: {  	v6 =	vld [tilespmem:s15+$0x8150]  }
0x3a: {  	v7 =	vld [tilespmem:s15+$0x8160]  }
0x3b: {  	[tilespmem:s15+$0x100] =	vst.add.f32.msk $0xffff, v1  }
0x3c: {  	[tilespmem:s15+$0x110] =	vst.add.f32.msk $0xffff, v2  }
0x3d: {  	[tilespmem:s15+$0x120] =	vst.add.f32.msk $0xffff, v3  }
0x3e: {  	[tilespmem:s15+$0x130] =	vst.add.f32.msk $0xffff, v4  }
0x3f: {  	[tilespmem:s15+$0x140] =	vst.add.f32.msk $0xffff, v5  }
0x40: {  	[tilespmem:s15+$0x150] =	vst.add.f32.msk $0xffff, v6  }
0x41: {  	[tilespmem:s15+$0x160] =	vst.add.f32.msk $0xffff, v7  }
0x42: {  	[tilespmem:s15+$0x170] =	vst.add.f32.msk $0xffff, v0  }
0x43: {  	[tilespmem:s15+$0x2100] =	vst.add.f32.msk $0xffff, v1  }
0x44: {  	[tilespmem:s15+$0x2110] =	vst.add.f32.msk $0xffff, v2  }
.Ltmp0:
0x45: {  	[tilespmem:s15+$0x2120] =	vst.add.f32.msk $0xffff, v3;
	(pc) =	sbr.rel @p0 .LBB2_2-.Ltmp0, $4  }
0x46: {  	[tilespmem:s15+$0x2130] =	vst.add.f32.msk $0xffff, v4  }
0x47: {  	[tilespmem:s15+$0x2140] =	vst.add.f32.msk $0xffff, v5  }
0x48: {  	[tilespmem:s15+$0x2150] =	vst.add.f32.msk $0xffff, v6  }
0x49: {  	[tilespmem:s15+$0x2160] =	vst.add.f32.msk $0xffff, v7;
	s15 =	sshra.s32 s17, $0x2;
	s17 =	sadd.s32 $0x200, s17  }
0x4a: {  	v0 =	vld [tilespmem:s15+$0x8170]  }
0x4b: {  	v1 =	vld [tilespmem:s15+$0x8100]  }
0x4c: {  	v2 =	vld [tilespmem:s15+$0x8110]  }
0x4d: {  	v3 =	vld [tilespmem:s15+$0x8120]  }
0x4e: {  	v4 =	vld [tilespmem:s15+$0x8130]  }
0x4f: {  	v5 =	vld [tilespmem:s15+$0x8140]  }
0x50: {  	v6 =	vld [tilespmem:s15+$0x8150]  }
0x51: {  	v7 =	vld [tilespmem:s15+$0x8160]  }
0x52: {  	[tilespmem:s15+$0x2170] =	vst.add.f32.msk $0xffff, v0  }
0x53: {  	[tilespmem:s15+$0x100] =	vst.add.f32.msk $0xffff, v1  }
0x54: {  	[tilespmem:s15+$0x110] =	vst.add.f32.msk $0xffff, v2  }
0x55: {  	[tilespmem:s15+$0x120] =	vst.add.f32.msk $0xffff, v3  }
0x56: {  	[tilespmem:s15+$0x130] =	vst.add.f32.msk $0xffff, v4  }
0x57: {  	[tilespmem:s15+$0x140] =	vst.add.f32.msk $0xffff, v5  }
0x58: {  	[tilespmem:s15+$0x150] =	vst.add.f32.msk $0xffff, v6  }
0x59: {  	[tilespmem:s15+$0x160] =	vst.add.f32.msk $0xffff, v7  }
0x5a: {  	[tilespmem:s15+$0x170] =	vst.add.f32.msk $0xffff, v0  }
0x5b: {  	[tilespmem:s15+$0x2100] =	vst.add.f32.msk $0xffff, v1  }
0x5c: {  	[tilespmem:s15+$0x2110] =	vst.add.f32.msk $0xffff, v2  }
0x5d: {  	[tilespmem:s15+$0x2120] =	vst.add.f32.msk $0xffff, v3  }
0x5e: {  	[tilespmem:s15+$0x2130] =	vst.add.f32.msk $0xffff, v4  }
0x5f: {  	[tilespmem:s15+$0x2140] =	vst.add.f32.msk $0xffff, v5  }
0x60: {  	[tilespmem:s15+$0x2150] =	vst.add.f32.msk $0xffff, v6  }
0x61: {  	s17 =	simm.s32 $0x0;
	[tilespmem:s15+$0x2160] =	vst.add.f32.msk $0xffff, v7  }
0x62: {  	[hbm4b:s9+s17] =	stream.linear.scatter [tilespmem:s20], [sflag:$0x3], $0x2000, $0x38;
	[tilespmem:$0xA100] =	vst v63  }
0x63: {  	_ = 	snop  }
0x64: {  	[hbm4b:s10+s17] =	stream.linear.scatter [tilespmem:s26], [sflag:$0x4], $0x2000, $0x38;
	[tilespmem:$0xA100] =	vst v63  }
0x65: {  	_ =	swait.ge [sflag:s28], $0x4000  }
0x66: {  	[sflag:s28] =	ssyncset.done $0x0  }
0x67: {  	s15 =	simm.s32 $0x0;
	s17 =	simm.s32 $0x200;
	[sflag:s28] =	ssyncadd.s32 $0xFFFFC000  }
.LBB2_4:
0x68: {  	p0 =	sne.s32 s17, $0x7E00;
	v0 =	vld [tilespmem:s15+$0x8170]  }
0x69: {  	v1 =	vld [tilespmem:s15+$0x8100]  }
0x6a: {  	v2 =	vld [tilespmem:s15+$0x8110]  }
0x6b: {  	v3 =	vld [tilespmem:s15+$0x8120]  }
0x6c: {  	v4 =	vld [tilespmem:s15+$0x8130]  }
0x6d: {  	[tilespmem:s15+$0x6170] =	vst.add.f32.msk $0xffff, v0  }
0x6e: {  	v5 =	vld [tilespmem:s15+$0x8140]  }
0x6f: {  	v6 =	vld [tilespmem:s15+$0x8150]  }
0x70: {  	v7 =	vld [tilespmem:s15+$0x8160]  }
0x71: {  	[tilespmem:s15+$0x4100] =	vst.add.f32.msk $0xffff, v1  }
0x72: {  	[tilespmem:s15+$0x4110] =	vst.add.f32.msk $0xffff, v2  }
0x73: {  	[tilespmem:s15+$0x4120] =	vst.add.f32.msk $0xffff, v3  }
0x74: {  	[tilespmem:s15+$0x4130] =	vst.add.f32.msk $0xffff, v4  }
0x75: {  	[tilespmem:s15+$0x4140] =	vst.add.f32.msk $0xffff, v5  }
0x76: {  	[tilespmem:s15+$0x4150] =	vst.add.f32.msk $0xffff, v6  }
0x77: {  	[tilespmem:s15+$0x4160] =	vst.add.f32.msk $0xffff, v7  }
0x78: {  	[tilespmem:s15+$0x4170] =	vst.add.f32.msk $0xffff, v0  }
0x79: {  	[tilespmem:s15+$0x6100] =	vst.add.f32.msk $0xffff, v1  }
0x7a: {  	[tilespmem:s15+$0x6110] =	vst.add.f32.msk $0xffff, v2  }
.Ltmp1:
0x7b: {  	[tilespmem:s15+$0x6120] =	vst.add.f32.msk $0xffff, v3;
	(pc) =	sbr.rel @p0 .LBB2_4-.Ltmp1, $4  }
0x7c: {  	[tilespmem:s15+$0x6130] =	vst.add.f32.msk $0xffff, v4  }
0x7d: {  	[tilespmem:s15+$0x6140] =	vst.add.f32.msk $0xffff, v5  }
0x7e: {  	[tilespmem:s15+$0x6150] =	vst.add.f32.msk $0xffff, v6  }
0x7f: {  	[tilespmem:s15+$0x6160] =	vst.add.f32.msk $0xffff, v7;
	s15 =	sshra.s32 s17, $0x2;
	s17 =	sadd.s32 $0x200, s17  }
0x80: {  	v0 =	vld [tilespmem:s15+$0x8170]  }
0x81: {  	v1 =	vld [tilespmem:s15+$0x8100]  }
0x82: {  	v2 =	vld [tilespmem:s15+$0x8110]  }
0x83: {  	v3 =	vld [tilespmem:s15+$0x8120]  }
0x84: {  	v4 =	vld [tilespmem:s15+$0x8130]  }
0x85: {  	v5 =	vld [tilespmem:s15+$0x8140]  }
0x86: {  	v6 =	vld [tilespmem:s15+$0x8150]  }
0x87: {  	v7 =	vld [tilespmem:s15+$0x8160]  }
0x88: {  	[tilespmem:s15+$0x6170] =	vst.add.f32.msk $0xffff, v0  }
0x89: {  	[tilespmem:s15+$0x4100] =	vst.add.f32.msk $0xffff, v1  }
0x8a: {  	[tilespmem:s15+$0x4110] =	vst.add.f32.msk $0xffff, v2  }
0x8b: {  	[tilespmem:s15+$0x4120] =	vst.add.f32.msk $0xffff, v3  }
0x8c: {  	[tilespmem:s15+$0x4130] =	vst.add.f32.msk $0xffff, v4  }
0x8d: {  	[tilespmem:s15+$0x4140] =	vst.add.f32.msk $0xffff, v5  }
0x8e: {  	[tilespmem:s15+$0x4150] =	vst.add.f32.msk $0xffff, v6  }
0x8f: {  	[tilespmem:s15+$0x4160] =	vst.add.f32.msk $0xffff, v7  }
0x90: {  	[tilespmem:s15+$0x4170] =	vst.add.f32.msk $0xffff, v0  }
0x91: {  	[tilespmem:s15+$0x6100] =	vst.add.f32.msk $0xffff, v1  }
0x92: {  	[tilespmem:s15+$0x6110] =	vst.add.f32.msk $0xffff, v2  }
0x93: {  	[tilespmem:s15+$0x6120] =	vst.add.f32.msk $0xffff, v3  }
0x94: {  	[tilespmem:s15+$0x6130] =	vst.add.f32.msk $0xffff, v4  }
0x95: {  	[tilespmem:s15+$0x6140] =	vst.add.f32.msk $0xffff, v5  }
0x96: {  	[tilespmem:s15+$0x6150] =	vst.add.f32.msk $0xffff, v6  }
0x97: {  	[tilespmem:s15+$0x6160] =	vst.add.f32.msk $0xffff, v7  }
0x98: {  	[hbm4b:s11+s3] =	stream.linear.scatter [tilespmem:s23], [sflag:$0x5], $0x2000, $0x38;
	[tilespmem:$0xA100] =	vst v63  }
0x99: {  	_ = 	snop  }
0x9a: {  	[hbm4b:s12+s3] =	stream.linear.scatter [tilespmem:s29], [sflag:$0x6], $0x2000, $0x38;
	[tilespmem:$0xA100] =	vst v63  }
0x9b: {  	_ =	swait.ge [sflag:s30], $0x2000  }
0x9c: {  	[sflag:s30] =	ssyncset.done $0x0  }
0x9d: {  	[sflag:s30] =	ssyncadd.s32 $0xFFFFE000  }
0x9e: {  	_ =	swait.ge [sflag:s31], $0x2000  }
0x9f: {  	[sflag:s31] =	ssyncset.done $0x0  }
0xa0: {  	s14 =	sadd.s32 $0x1, s14;
	[sflag:s31] =	ssyncadd.s32 $0xFFFFE000  }
0xa1: {  	p0 =	sne.s32 s14, s13;
	_ =	swait.ge [sflag:s2], $0x2000  }
.Ltmp2:
0xa2: {  	[sflag:s2] =	ssyncset.done $0x0;
	(pc) =	sbr.rel @p0 .LBB2_1-.Ltmp2, $4  }
0xa3: {  	[sflag:s2] =	ssyncadd.s32 $0xFFFFE000  }
0xa4: {  	_ =	swait.ge [sflag:s0], $0x2000  }
0xa5: {  	[sflag:s0] =	ssyncset.done $0x0  }
0xa6: {  	[sflag:s0] =	ssyncadd.s32 $0xFFFFE000  }
0xa7: {  	_ =	sfence.sel $0x180000  }
0xa8: {  	[bflag:$0x0] =	sbarrier.arrive $0xFFFF  }
0xa9: {  	_ =	strace $0x90000047  }
0xaa: {  	s0 =	stileid.u32;
	[bflag:$0x2] =	sbarrier.arrive $0xFFFF  }
0xab: {  	p0 =	sne.s32 s0, $0x0;
	s0 =	rddreg [dreg:$0x4]  }
0xac: {  	s0 =	sadd.s32 @!p0 $0x100000, s0  }
0xad: {  	[sflag:s0] =	ssyncadd.tile.s32 @!p0 $0x1;
	_ =	shalt  }
.Lfunc_end2:
_tile_overlayer_lowered:
.L_overlay_start_2:
0xae: {  	(tag) =	ssettag $0x2  }
0xaf: {  	s0 =	rddreg [dreg:$0x0];
	s2 =	stileid.u32  }
0xb0: {  	s1 =	rddreg [dreg:$0x1];
	p0 =	sne.s32 s2, $0x0  }
0xb1: {  	s3 =	rddreg [dreg:$0x2];
	[bflag:$0x3] =	sbarrier.arrive $0xFFFF;
	s2 =	simm.s32 @!p0 $0x1C0C  }
0xb2: {  	[timem:s3], [sflag:s2] =	dma.local @!p0 [hbm:s0], s1  }
0xb3: {  	s0 =	simm.s32 @!p0 $0xC  }
0xb4: {  	_ =	swait.ge @!p0 [sflag:s0], s1  }
0xb5: {  	s1 =	ssub.s32 @!p0 $0x0, s1;
	[sflag:s0] =	ssyncset.done @!p0 $0x0  }
0xb6: {  	[sflag:s0] =	ssyncadd.s32 @!p0 s1  }
0xb7: {  	[bflag:$0x3] =	sbarrier.arrive $0xFFFF  }
0xb8: {  	_ =	shalt  }

</sc_bundles>
